<compile_context>
chip_gen: v7x
topology: tpu7x:2x2x1
jax: 0.10.2.dev20260603
libtpu: 0.0.44.dev20260713+nightly
codegen_flags: <defaults>
</compile_context>

<pallas_src>
import functools

import jax
import jax.numpy as jnp
from jax import lax
from jax.experimental import pallas as pl
from jax.experimental.pallas import tpu as pltpu
from jax.experimental.pallas import tpu_sc as plsc

NC = 2
NS = 16
NW = NC * NS


@functools.partial(jax.jit, static_argnames=("N", "E", "CH"))
def _edge_pass(ns_flat, src, dst, zeros_n, *, N, E, CH):
    PT = E // NW
    NCH = PT // CH
    G = CH // 16

    mesh = plsc.VectorSubcoreMesh(
        core_axis_name="c", subcore_axis_name="s", num_cores=NC, num_subcores=NS
    )

    @functools.partial(
        pl.kernel,
        out_type=(
            jax.ShapeDtypeStruct((N,), jnp.float32),
            jax.ShapeDtypeStruct((N,), jnp.float32),
            jax.ShapeDtypeStruct((N,), jnp.float32),
            jax.ShapeDtypeStruct((N,), jnp.float32),
        ),
        mesh=mesh,
        scratch_types=(
            pltpu.VMEM((N,), jnp.float32),
            *([pltpu.VMEM((CH,), jnp.int32)] * 4),
            *([pltpu.VMEM((CH,), jnp.int32)] * 2),
            *([pltpu.VMEM((CH,), jnp.float32)] * 2),
            *([pltpu.VMEM((CH,), jnp.float32)] * 2),
            pltpu.VMEM_SHARED((N,), jnp.float32),
            pltpu.VMEM_SHARED((N,), jnp.float32),
            pltpu.SemaphoreType.DMA,
            *([pltpu.SemaphoreType.DMA] * 4),
        ),
        compiler_params=pltpu.CompilerParams(needs_layout_passes=False),
    )
    def k(ns_hbm, src_hbm, dst_hbm, zz_hbm, s1p0_hbm, s1p1_hbm, s2p0_hbm,
          s2p1_hbm, ns_v, sb0, sb1, sb2, sb3, db0, db1, va0, va1,
          vb0, vb1, s1, s2, sem_l, ss0, ss1, ss2, ss3):
        c = lax.axis_index("c")
        s = lax.axis_index("s")
        w = c * NS + s
        sb = [sb0, sb1, sb2, sb3]
        db = [db0, db1]
        va = [va0, va1]
        vb = [vb0, vb1]
        ss = [ss0, ss1, ss2, ss3]

        pltpu.sync_copy(ns_hbm, ns_v)

        @pl.when(s == 0)
        def _():
            pltpu.sync_copy(zz_hbm, s1)
            pltpu.sync_copy(zz_hbm, s2)

        plsc.subcore_barrier()

        base = w * PT
        NJ = NCH // 4

        H = CH // 2

        def issue_load(off, k4, k2):
            pltpu.async_copy(src_hbm.at[pl.ds(off, H)],
                             sb[k4].at[pl.ds(0, H)], sem_l)
            pltpu.async_copy(src_hbm.at[pl.ds(off + H, H)],
                             sb[k4].at[pl.ds(H, H)], sem_l)
            pltpu.async_copy(dst_hbm.at[pl.ds(off, H)],
                             db[k2].at[pl.ds(0, H)], sem_l)
            pltpu.async_copy(dst_hbm.at[pl.ds(off + H, H)],
                             db[k2].at[pl.ds(H, H)], sem_l)

        def wait_load(off, k4, k2):
            pltpu.make_async_copy(src_hbm.at[pl.ds(off, CH)], sb[k4],
                                  sem_l).wait()
            pltpu.make_async_copy(dst_hbm.at[pl.ds(off, CH)], db[k2],
                                  sem_l).wait()

        def issue_scatter(k4):
            pltpu.async_copy(va[k4 % 2], s1.at[sb[k4]], ss[k4], add=True)
            pltpu.async_copy(vb[k4 % 2], s2.at[sb[k4]], ss[k4], add=True)

        def wait_scatter(k4):
            pltpu.make_async_copy(va[k4 % 2], s1.at[sb[k4]], ss[k4]).wait()
            pltpu.make_async_copy(vb[k4 % 2], s2.at[sb[k4]], ss[k4]).wait()

        def compute(k4, k2):
            def grp(gg, carry2):
                for u in range(4):
                    slc = pl.ds(gg * 64 + u * 16, 16)
                    du = plsc.load_gather(ns_v, [sb[k4][slc]])
                    dv = plsc.load_gather(ns_v, [db[k2][slc]])
                    t = du + dv
                    w2 = t + t
                    va[k4 % 2][slc] = lax.abs(w2)
                    vb[k4 % 2][slc] = w2 * w2
                return carry2

            lax.fori_loop(0, G // 4, grp, 0)

        issue_load(base, 0, 0)

        def body(j, carry):
            i0 = j * 4
            for k in range(4):
                off = base + (i0 + k) * CH
                wait_load(off, k, k % 2)
                issue_load(off + CH, (k + 1) % 4, (k + 1) % 2)
                compute(k, k % 2)
                if k == 0:
                    @pl.when(j > 0)
                    def _():
                        wait_scatter(3)
                else:
                    wait_scatter(k - 1)
                issue_scatter(k)
            return carry

        lax.fori_loop(0, NJ, body, 0)
        off_t = base + NJ * 4 * CH
        wait_load(off_t, 0, 0)
        compute(0, 0)
        wait_scatter(3)
        issue_scatter(0)
        wait_scatter(0)
        plsc.subcore_barrier()

        @pl.when(jnp.logical_and(s == 0, c == 0))
        def _():
            pltpu.sync_copy(s1, s1p0_hbm)
            pltpu.sync_copy(s2, s2p0_hbm)

        @pl.when(jnp.logical_and(s == 0, c == 1))
        def _():
            pltpu.sync_copy(s1, s1p1_hbm)
            pltpu.sync_copy(s2, s2p1_hbm)

    return k(ns_flat, src, dst, zeros_n)


@functools.partial(jax.jit, static_argnames=("N",))
def _combine_pass(ns_flat, s1p0, s1p1, s2p0, s2p1, *, N):
    CN = 3136
    LAST = N - (NW - 1) * CN

    mesh = plsc.VectorSubcoreMesh(
        core_axis_name="c", subcore_axis_name="s", num_cores=NC, num_subcores=NS
    )

    @functools.partial(
        pl.kernel,
        out_type=jax.ShapeDtypeStruct((N,), jnp.float32),
        mesh=mesh,
        scratch_types=(
            pltpu.VMEM((CN,), jnp.float32),
            pltpu.VMEM((CN,), jnp.float32),
            pltpu.VMEM((CN,), jnp.float32),
            pltpu.VMEM((CN,), jnp.float32),
            pltpu.VMEM((CN,), jnp.float32),
            pltpu.VMEM((CN,), jnp.float32),
        ),
        compiler_params=pltpu.CompilerParams(needs_layout_passes=False),
    )
    def k(ns_hbm, s1p0_hbm, s1p1_hbm, s2p0_hbm, s2p1_hbm, out_hbm,
          nsb, a0, a1, b0, b1, ob):
        c = lax.axis_index("c")
        s = lax.axis_index("s")
        w = c * NS + s
        base = w * CN

        def body(cnt):
            pltpu.sync_copy(ns_hbm.at[pl.ds(base, cnt)], nsb.at[pl.ds(0, cnt)])
            pltpu.sync_copy(s1p0_hbm.at[pl.ds(base, cnt)], a0.at[pl.ds(0, cnt)])
            pltpu.sync_copy(s1p1_hbm.at[pl.ds(base, cnt)], a1.at[pl.ds(0, cnt)])
            pltpu.sync_copy(s2p0_hbm.at[pl.ds(base, cnt)], b0.at[pl.ds(0, cnt)])
            pltpu.sync_copy(s2p1_hbm.at[pl.ds(base, cnt)], b1.at[pl.ds(0, cnt)])

            def grp(g, carry):
                sl = pl.ds(g * 16, 16)
                s1v = a0[sl] + a1[sl]
                s2v = b0[sl] + b1[sl]
                r = s2v / jnp.maximum(s1v, jnp.float32(1e-6))
                nsv = nsb[sl]
                sv = nsv + r
                ob[sl] = nsv + (sv + sv)
                return carry

            lax.fori_loop(0, cnt // 16, grp, 0)
            pltpu.sync_copy(ob.at[pl.ds(0, cnt)], out_hbm.at[pl.ds(base, cnt)])

        @pl.when(w < NW - 1)
        def _():
            body(CN)

        @pl.when(w == NW - 1)
        def _():
            body(LAST)

    return k(ns_flat, s1p0, s1p1, s2p0, s2p1)


def kernel(node_states, edge_src, edge_dst, edge_info):
    N = node_states.shape[0]
    E = edge_src.shape[0]
    ns_flat = node_states.reshape(N)
    zeros_n = jnp.zeros((N,), jnp.float32)
    s1p0, s1p1, s2p0, s2p1 = _edge_pass(
        ns_flat, edge_src, edge_dst, zeros_n, N=N, E=E, CH=1600)
    out = _combine_pass(ns_flat, s1p0, s1p1, s2p0, s2p1, N=N)
    return out.reshape(N, 1)

# --- scband reference (transcript-rebuilt; emitter-appended) ---
"""Pipeline reference for scband-perception-update-module-88845693485749 (READ-ONLY COPY).

The authoritative reference and input builder live on the scoring server;
editing this copy changes nothing except your own understanding.
"""

import jax, jax.numpy as jnp
import numpy as np

LAYER_CFG = {"fusion": [8, 4], "attn": [4, 1], "update": [4, 1]}


def gate_net(x, sizes):
    # DiffLogicGateNetwork: every DiffLogicGate has idx_a=0, idx_b=1 and
    # function_logits initialized to zeros, so torch.argmax picks op index 0,
    # which is (a + b). Each gate outputs one column; a layer of `size` gates
    # concatenates `size` identical columns of x[:,0]+x[:,1].
    out = x
    for size in sizes:
        s = out[:, 0:1] + out[:, 1:2]
        out = jnp.tile(s, (1, size))
    return out


def setup_inputs(seed: int = 0) -> dict:
    key = jax.random.key(seed)
    k1, k2, k3, k4 = jax.random.split(key, 4)
    N = 100000
    E = 6400000
    node_states = jax.random.normal(k1, (N, 1), dtype=jnp.float32)
    edge_src = jax.random.randint(k2, (E,), 0, N, dtype=jnp.int32)
    edge_dst = jax.random.randint(k3, (E,), 0, N, dtype=jnp.int32)
    edge_info = jax.random.normal(k4, (E, 2), dtype=jnp.float32)
    return {"node_states": node_states, "edge_src": edge_src,
            "edge_dst": edge_dst, "edge_info": edge_info}


def reference(node_states, edge_src, edge_dst, edge_info):
    N = node_states.shape[0]
    ns = node_states
    du_raw = ns[edge_src].reshape(-1, 1)
    dv_raw = ns[edge_dst].reshape(-1, 1)
    das = edge_info.reshape(-1, 2)

    fusion_in = jnp.concatenate([du_raw, dv_raw], axis=1)
    fused = gate_net(fusion_in, LAYER_CFG["fusion"])  # [E, Cf]

    attn_in = jnp.concatenate([du_raw, dv_raw, das], axis=1)  # [E, 4]
    weights_r = gate_net(attn_in, LAYER_CFG["attn"])[:, 0]  # [E]

    abs_sum_per_src = jax.ops.segment_sum(jnp.abs(weights_r), edge_src,
                                          num_segments=N)
    abs_sum_per_src = jnp.clip(abs_sum_per_src, 1e-06, None)
    soft_w = weights_r / abs_sum_per_src[edge_src]

    weighted = fused * soft_w[:, None]
    agg = jax.ops.segment_sum(weighted, edge_src, num_segments=N)  # [N, Cf]

    x = jnp.concatenate([ns, agg], axis=1)  # [N, 1+Cf]
    update_delta = gate_net(x, LAYER_CFG["update"])  # [N, 1]
    out = ns + update_delta
    return out

if __name__ == "__main__":
    import jax
    _d = setup_inputs()
    print(jax.jit(kernel)(*tuple(_d.values())))

</pallas_src>

<mosaic_0001>
#map = affine_map<(d0, d1) -> (0)>
module attributes {stable_mosaic.version = 14 : i64} {
  func.func @k(%arg0: i32, %arg1: i32, %arg2: memref<100000xf32, #tpu.memory_space<hbm>>, %arg3: memref<6400000xi32, #tpu.memory_space<hbm>>, %arg4: memref<6400000xi32, #tpu.memory_space<hbm>>, %arg5: memref<100000xf32, #tpu.memory_space<hbm>>, %arg6: memref<100000xf32, #tpu.memory_space<hbm>>, %arg7: memref<100000xf32, #tpu.memory_space<hbm>>, %arg8: memref<100000xf32, #tpu.memory_space<hbm>>, %arg9: memref<100000xf32, #tpu.memory_space<hbm>>, %arg10: memref<100000xf32, #tpu.memory_space<vmem>>, %arg11: memref<1600xi32, #tpu.memory_space<vmem>>, %arg12: memref<1600xi32, #tpu.memory_space<vmem>>, %arg13: memref<1600xi32, #tpu.memory_space<vmem>>, %arg14: memref<1600xi32, #tpu.memory_space<vmem>>, %arg15: memref<1600xi32, #tpu.memory_space<vmem>>, %arg16: memref<1600xi32, #tpu.memory_space<vmem>>, %arg17: memref<1600xf32, #tpu.memory_space<vmem>>, %arg18: memref<1600xf32, #tpu.memory_space<vmem>>, %arg19: memref<1600xf32, #tpu.memory_space<vmem>>, %arg20: memref<1600xf32, #tpu.memory_space<vmem>>, %arg21: memref<100000xf32, #tpu.memory_space<vmem_shared>>, %arg22: memref<100000xf32, #tpu.memory_space<vmem_shared>>, %arg23: memref<!tpu.dma_semaphore, #tpu.memory_space<semaphore_mem>>, %arg24: memref<!tpu.dma_semaphore, #tpu.memory_space<semaphore_mem>>, %arg25: memref<!tpu.dma_semaphore, #tpu.memory_space<semaphore_mem>>, %arg26: memref<!tpu.dma_semaphore, #tpu.memory_space<semaphore_mem>>, %arg27: memref<!tpu.dma_semaphore, #tpu.memory_space<semaphore_mem>>) attributes {dimension_semantics = [#tpu.dimension_semantics<core_parallel>, #tpu.dimension_semantics<subcore_parallel>], iteration_bounds = array<i64: 2, 16>, scalar_prefetch = 0 : i64, scratch_operands = 18 : i64, tpu.core_type = #tpu.core_type<sc_vector_subcore>, window_params = [{transform_indices = #map}, {transform_indices = #map}, {transform_indices = #map}, {transform_indices = #map}, {transform_indices = #map}, {transform_indices = #map}, {transform_indices = #map}, {transform_indices = #map}]} {
    %mul3A = arith.constant 16 : i32
    %mul3A_0 = arith.muli %arg0, %mul3A : i32
    %add3A = arith.addi %mul3A_0, %arg1 : i32
    "tpu.region"() ({
      %run_scoped3A = tpu.sem_alloc : memref<!tpu.dma_semaphore, #tpu.memory_space<semaphore_mem>>
      tpu.enqueue_dma source(%arg2 : memref<100000xf32, #tpu.memory_space<hbm>>) target(%arg10 : memref<100000xf32, #tpu.memory_space<vmem>>) target_semaphore(%run_scoped3A : memref<!tpu.dma_semaphore, #tpu.memory_space<semaphore_mem>>)
      tpu.wait_dma2 semaphore(%run_scoped3A : memref<!tpu.dma_semaphore, #tpu.memory_space<semaphore_mem>>) src(%arg2 : memref<100000xf32, #tpu.memory_space<hbm>>) dst(%arg10 : memref<100000xf32, #tpu.memory_space<vmem>>)
      tpu.yield
    }) : () -> ()
    %eq3A = arith.constant 0 : i32
    %eq3A_1 = arith.cmpi eq, %arg1, %eq3A : i32
    %convert_element_type3A = arith.extui %eq3A_1 : i1 to i32
    %cond3A = arith.constant 0 : i32
    %cond3A_2 = arith.cmpi ne, %convert_element_type3A, %cond3A : i32
    scf.if %cond3A_2 {
      "tpu.region"() ({
        %run_scoped3A = tpu.sem_alloc : memref<!tpu.dma_semaphore, #tpu.memory_space<semaphore_mem>>
        tpu.enqueue_dma source(%arg5 : memref<100000xf32, #tpu.memory_space<hbm>>) target(%arg21 : memref<100000xf32, #tpu.memory_space<vmem_shared>>) target_semaphore(%run_scoped3A : memref<!tpu.dma_semaphore, #tpu.memory_space<semaphore_mem>>)
        tpu.wait_dma2 semaphore(%run_scoped3A : memref<!tpu.dma_semaphore, #tpu.memory_space<semaphore_mem>>) src(%arg5 : memref<100000xf32, #tpu.memory_space<hbm>>) dst(%arg21 : memref<100000xf32, #tpu.memory_space<vmem_shared>>)
        tpu.yield
      }) : () -> ()
      "tpu.region"() ({
        %run_scoped3A = tpu.sem_alloc : memref<!tpu.dma_semaphore, #tpu.memory_space<semaphore_mem>>
        tpu.enqueue_dma source(%arg5 : memref<100000xf32, #tpu.memory_space<hbm>>) target(%arg22 : memref<100000xf32, #tpu.memory_space<vmem_shared>>) target_semaphore(%run_scoped3A : memref<!tpu.dma_semaphore, #tpu.memory_space<semaphore_mem>>)
        tpu.wait_dma2 semaphore(%run_scoped3A : memref<!tpu.dma_semaphore, #tpu.memory_space<semaphore_mem>>) src(%arg5 : memref<100000xf32, #tpu.memory_space<hbm>>) dst(%arg22 : memref<100000xf32, #tpu.memory_space<vmem_shared>>)
        tpu.yield
      }) : () -> ()
    } else {
    }
    %barrier3A = arith.constant 0 : index
    tpu.barrier barrier_id(%barrier3A)
    %mul3A_3 = arith.constant 200000 : i32
    %mul3A_4 = arith.muli %add3A, %mul3A_3 : i32
    %dma_start3A = arith.constant 0 : i32
    %dma_start3A_5 = tpu.memref_slice %arg11[%dma_start3A] : memref<1600xi32, #tpu.memory_space<vmem>> -> memref<800xi32, #tpu.memory_space<vmem>>
    %dma_start3A_6 = tpu.memref_slice %arg3[%mul3A_4] : memref<6400000xi32, #tpu.memory_space<hbm>> -> memref<800xi32, #tpu.memory_space<hbm>>
    %dma_start3A_7 = arith.constant 0 : i32
    %dma_start3A_8 = tpu.memref_slice %arg11[%dma_start3A_7] : memref<1600xi32, #tpu.memory_space<vmem>> -> memref<800xi32, #tpu.memory_space<vmem>>
    %dma_start3A_9 = tpu.memref_slice %arg3[%mul3A_4] : memref<6400000xi32, #tpu.memory_space<hbm>> -> memref<800xi32, #tpu.memory_space<hbm>>
    tpu.enqueue_dma source(%dma_start3A_9 : memref<800xi32, #tpu.memory_space<hbm>>) target(%dma_start3A_8 : memref<800xi32, #tpu.memory_space<vmem>>) target_semaphore(%arg23 : memref<!tpu.dma_semaphore, #tpu.memory_space<semaphore_mem>>)
    %add3A_10 = arith.constant 800 : i32
    %add3A_11 = arith.addi %mul3A_4, %add3A_10 : i32
    %dma_start3A_12 = arith.constant 800 : i32
    %dma_start3A_13 = tpu.memref_slice %arg11[%dma_start3A_12] : memref<1600xi32, #tpu.memory_space<vmem>> -> memref<800xi32, #tpu.memory_space<vmem>>
    %dma_start3A_14 = tpu.memref_slice %arg3[%add3A_11] : memref<6400000xi32, #tpu.memory_space<hbm>> -> memref<800xi32, #tpu.memory_space<hbm>>
    %dma_start3A_15 = arith.constant 800 : i32
    %dma_start3A_16 = tpu.memref_slice %arg11[%dma_start3A_15] : memref<1600xi32, #tpu.memory_space<vmem>> -> memref<800xi32, #tpu.memory_space<vmem>>
    %dma_start3A_17 = tpu.memref_slice %arg3[%add3A_11] : memref<6400000xi32, #tpu.memory_space<hbm>> -> memref<800xi32, #tpu.memory_space<hbm>>
    tpu.enqueue_dma source(%dma_start3A_17 : memref<800xi32, #tpu.memory_space<hbm>>) target(%dma_start3A_16 : memref<800xi32, #tpu.memory_space<vmem>>) target_semaphore(%arg23 : memref<!tpu.dma_semaphore, #tpu.memory_space<semaphore_mem>>)
    %dma_start3A_18 = arith.constant 0 : i32
    %dma_start3A_19 = tpu.memref_slice %arg15[%dma_start3A_18] : memref<1600xi32, #tpu.memory_space<vmem>> -> memref<800xi32, #tpu.memory_space<vmem>>
    %dma_start3A_20 = tpu.memref_slice %arg4[%mul3A_4] : memref<6400000xi32, #tpu.memory_space<hbm>> -> memref<800xi32, #tpu.memory_space<hbm>>
    %dma_start3A_21 = arith.constant 0 : i32
    %dma_start3A_22 = tpu.memref_slice %arg15[%dma_start3A_21] : memref<1600xi32, #tpu.memory_space<vmem>> -> memref<800xi32, #tpu.memory_space<vmem>>
    %dma_start3A_23 = tpu.memref_slice %arg4[%mul3A_4] : memref<6400000xi32, #tpu.memory_space<hbm>> -> memref<800xi32, #tpu.memory_space<hbm>>
    tpu.enqueue_dma source(%dma_start3A_23 : memref<800xi32, #tpu.memory_space<hbm>>) target(%dma_start3A_22 : memref<800xi32, #tpu.memory_space<vmem>>) target_semaphore(%arg23 : memref<!tpu.dma_semaphore, #tpu.memory_space<semaphore_mem>>)
    %add3A_24 = arith.constant 800 : i32
    %add3A_25 = arith.addi %mul3A_4, %add3A_24 : i32
    %dma_start3A_26 = arith.constant 800 : i32
    %dma_start3A_27 = tpu.memref_slice %arg15[%dma_start3A_26] : memref<1600xi32, #tpu.memory_space<vmem>> -> memref<800xi32, #tpu.memory_space<vmem>>
    %dma_start3A_28 = tpu.memref_slice %arg4[%add3A_25] : memref<6400000xi32, #tpu.memory_space<hbm>> -> memref<800xi32, #tpu.memory_space<hbm>>
    %dma_start3A_29 = arith.constant 800 : i32
    %dma_start3A_30 = tpu.memref_slice %arg15[%dma_start3A_29] : memref<1600xi32, #tpu.memory_space<vmem>> -> memref<800xi32, #tpu.memory_space<vmem>>
    %dma_start3A_31 = tpu.memref_slice %arg4[%add3A_25] : memref<6400000xi32, #tpu.memory_space<hbm>> -> memref<800xi32, #tpu.memory_space<hbm>>
    tpu.enqueue_dma source(%dma_start3A_31 : memref<800xi32, #tpu.memory_space<hbm>>) target(%dma_start3A_30 : memref<800xi32, #tpu.memory_space<vmem>>) target_semaphore(%arg23 : memref<!tpu.dma_semaphore, #tpu.memory_space<semaphore_mem>>)
    %scan3A = arith.constant 0 : i32
    %scan3A_32 = arith.constant 0 : i32
    %scan3A_33 = arith.constant 31 : i32
    %scan3A_34 = arith.addi %scan3A_32, %scan3A_33 : i32
    %scan3A_35 = arith.constant 1 : i32
    scf.for %scan3A_76 = %scan3A_32 to %scan3A_34 step %scan3A_35  : i32 {
      %mul3A_77 = arith.constant 4 : i32
      %mul3A_78 = arith.muli %scan3A_76, %mul3A_77 : i32
      %add3A_79 = arith.constant 0 : i32
      %add3A_80 = arith.addi %mul3A_78, %add3A_79 : i32
      %mul3A_81 = arith.constant 1600 : i32
      %mul3A_82 = arith.muli %add3A_80, %mul3A_81 : i32
      %add3A_83 = arith.addi %mul3A_4, %mul3A_82 : i32
      %dma_wait3A_84 = tpu.memref_slice %arg3[%add3A_83] : memref<6400000xi32, #tpu.memory_space<hbm>> -> memref<1600xi32, #tpu.memory_space<hbm>>
      %dma_wait3A_85 = tpu.memref_slice %arg3[%add3A_83] : memref<6400000xi32, #tpu.memory_space<hbm>> -> memref<1600xi32, #tpu.memory_space<hbm>>
      tpu.wait_dma2 semaphore(%arg23 : memref<!tpu.dma_semaphore, #tpu.memory_space<semaphore_mem>>) src(%dma_wait3A_85 : memref<1600xi32, #tpu.memory_space<hbm>>) dst(%arg11 : memref<1600xi32, #tpu.memory_space<vmem>>)
      %dma_wait3A_86 = tpu.memref_slice %arg4[%add3A_83] : memref<6400000xi32, #tpu.memory_space<hbm>> -> memref<1600xi32, #tpu.memory_space<hbm>>
      %dma_wait3A_87 = tpu.memref_slice %arg4[%add3A_83] : memref<6400000xi32, #tpu.memory_space<hbm>> -> memref<1600xi32, #tpu.memory_space<hbm>>
      tpu.wait_dma2 semaphore(%arg23 : memref<!tpu.dma_semaphore, #tpu.memory_space<semaphore_mem>>) src(%dma_wait3A_87 : memref<1600xi32, #tpu.memory_space<hbm>>) dst(%arg15 : memref<1600xi32, #tpu.memory_space<vmem>>)
      %add3A_88 = arith.constant 1600 : i32
      %add3A_89 = arith.addi %add3A_83, %add3A_88 : i32
      %dma_start3A_90 = arith.constant 0 : i32
      %dma_start3A_91 = tpu.memref_slice %arg12[%dma_start3A_90] : memref<1600xi32, #tpu.memory_space<vmem>> -> memref<800xi32, #tpu.memory_space<vmem>>
      %dma_start3A_92 = tpu.memref_slice %arg3[%add3A_89] : memref<6400000xi32, #tpu.memory_space<hbm>> -> memref<800xi32, #tpu.memory_space<hbm>>
      %dma_start3A_93 = arith.constant 0 : i32
      %dma_start3A_94 = tpu.memref_slice %arg12[%dma_start3A_93] : memref<1600xi32, #tpu.memory_space<vmem>> -> memref<800xi32, #tpu.memory_space<vmem>>
      %dma_start3A_95 = tpu.memref_slice %arg3[%add3A_89] : memref<6400000xi32, #tpu.memory_space<hbm>> -> memref<800xi32, #tpu.memory_space<hbm>>
      tpu.enqueue_dma source(%dma_start3A_95 : memref<800xi32, #tpu.memory_space<hbm>>) target(%dma_start3A_94 : memref<800xi32, #tpu.memory_space<vmem>>) target_semaphore(%arg23 : memref<!tpu.dma_semaphore, #tpu.memory_space<semaphore_mem>>)
      %add3A_96 = arith.constant 800 : i32
      %add3A_97 = arith.addi %add3A_89, %add3A_96 : i32
      %dma_start3A_98 = arith.constant 800 : i32
      %dma_start3A_99 = tpu.memref_slice %arg12[%dma_start3A_98] : memref<1600xi32, #tpu.memory_space<vmem>> -> memref<800xi32, #tpu.memory_space<vmem>>
      %dma_start3A_100 = tpu.memref_slice %arg3[%add3A_97] : memref<6400000xi32, #tpu.memory_space<hbm>> -> memref<800xi32, #tpu.memory_space<hbm>>
      %dma_start3A_101 = arith.constant 800 : i32
      %dma_start3A_102 = tpu.memref_slice %arg12[%dma_start3A_101] : memref<1600xi32, #tpu.memory_space<vmem>> -> memref<800xi32, #tpu.memory_space<vmem>>
      %dma_start3A_103 = tpu.memref_slice %arg3[%add3A_97] : memref<6400000xi32, #tpu.memory_space<hbm>> -> memref<800xi32, #tpu.memory_space<hbm>>
      tpu.enqueue_dma source(%dma_start3A_103 : memref<800xi32, #tpu.memory_space<hbm>>) target(%dma_start3A_102 : memref<800xi32, #tpu.memory_space<vmem>>) target_semaphore(%arg23 : memref<!tpu.dma_semaphore, #tpu.memory_space<semaphore_mem>>)
      %dma_start3A_104 = arith.constant 0 : i32
      %dma_start3A_105 = tpu.memref_slice %arg16[%dma_start3A_104] : memref<1600xi32, #tpu.memory_space<vmem>> -> memref<800xi32, #tpu.memory_space<vmem>>
      %dma_start3A_106 = tpu.memref_slice %arg4[%add3A_89] : memref<6400000xi32, #tpu.memory_space<hbm>> -> memref<800xi32, #tpu.memory_space<hbm>>
      %dma_start3A_107 = arith.constant 0 : i32
      %dma_start3A_108 = tpu.memref_slice %arg16[%dma_start3A_107] : memref<1600xi32, #tpu.memory_space<vmem>> -> memref<800xi32, #tpu.memory_space<vmem>>
      %dma_start3A_109 = tpu.memref_slice %arg4[%add3A_89] : memref<6400000xi32, #tpu.memory_space<hbm>> -> memref<800xi32, #tpu.memory_space<hbm>>
      tpu.enqueue_dma source(%dma_start3A_109 : memref<800xi32, #tpu.memory_space<hbm>>) target(%dma_start3A_108 : memref<800xi32, #tpu.memory_space<vmem>>) target_semaphore(%arg23 : memref<!tpu.dma_semaphore, #tpu.memory_space<semaphore_mem>>)
      %add3A_110 = arith.constant 800 : i32
      %add3A_111 = arith.addi %add3A_89, %add3A_110 : i32
      %dma_start3A_112 = arith.constant 800 : i32
      %dma_start3A_113 = tpu.memref_slice %arg16[%dma_start3A_112] : memref<1600xi32, #tpu.memory_space<vmem>> -> memref<800xi32, #tpu.memory_space<vmem>>
      %dma_start3A_114 = tpu.memref_slice %arg4[%add3A_111] : memref<6400000xi32, #tpu.memory_space<hbm>> -> memref<800xi32, #tpu.memory_space<hbm>>
      %dma_start3A_115 = arith.constant 800 : i32
      %dma_start3A_116 = tpu.memref_slice %arg16[%dma_start3A_115] : memref<1600xi32, #tpu.memory_space<vmem>> -> memref<800xi32, #tpu.memory_space<vmem>>
      %dma_start3A_117 = tpu.memref_slice %arg4[%add3A_111] : memref<6400000xi32, #tpu.memory_space<hbm>> -> memref<800xi32, #tpu.memory_space<hbm>>
      tpu.enqueue_dma source(%dma_start3A_117 : memref<800xi32, #tpu.memory_space<hbm>>) target(%dma_start3A_116 : memref<800xi32, #tpu.memory_space<vmem>>) target_semaphore(%arg23 : memref<!tpu.dma_semaphore, #tpu.memory_space<semaphore_mem>>)
      %scan3A_118 = arith.constant 0 : i32
      %scan3A_119 = arith.constant 0 : i32
      %scan3A_120 = arith.constant 25 : i32
      %scan3A_121 = arith.addi %scan3A_119, %scan3A_120 : i32
      %scan3A_122 = arith.constant 1 : i32
      scf.for %scan3A_291 = %scan3A_119 to %scan3A_121 step %scan3A_122  : i32 {
        %mul3A_292 = arith.constant 64 : i32
        %mul3A_293 = arith.muli %scan3A_291, %mul3A_292 : i32
        %add3A_294 = arith.constant 0 : i32
        %add3A_295 = arith.addi %mul3A_293, %add3A_294 : i32
        %get3A = arith.index_cast %add3A_295 : i32 to index
        %get3A_296 = tpu.vector_load %arg11[%get3A] {strides = array<i32>} : memref<1600xi32, #tpu.memory_space<vmem>>, vector<16xi32>,
        %gather3A = tpu.vector_load_idx %arg10[%get3A_296] : memref<100000xf32, #tpu.memory_space<vmem>>[vector<16xi32>], vector<16xf32>,
        %get3A_297 = arith.index_cast %add3A_295 : i32 to index
        %get3A_298 = tpu.vector_load %arg15[%get3A_297] {strides = array<i32>} : memref<1600xi32, #tpu.memory_space<vmem>>, vector<16xi32>,
        %gather3A_299 = tpu.vector_load_idx %arg10[%get3A_298] : memref<100000xf32, #tpu.memory_space<vmem>>[vector<16xi32>], vector<16xf32>,
        %add3A_300 = arith.addf %gather3A, %gather3A_299 : vector<16xf32>
        %add3A_301 = arith.addf %add3A_300, %add3A_300 : vector<16xf32>
        %abs3A = math.absf %add3A_301 : vector<16xf32>
        %swap3A = arith.index_cast %add3A_295 : i32 to index
        %swap3A_302 = tpu.vector_load %arg17[%swap3A] {strides = array<i32>} : memref<1600xf32, #tpu.memory_space<vmem>>, vector<16xf32>,
        tpu.vector_store %arg17[%swap3A], %abs3A {strides = array<i32>} : memref<1600xf32, #tpu.memory_space<vmem>>, vector<16xf32>,
        %mul3A_303 = arith.mulf %add3A_301, %add3A_301 : vector<16xf32>
        %swap3A_304 = arith.index_cast %add3A_295 : i32 to index
        %swap3A_305 = tpu.vector_load %arg19[%swap3A_304] {strides = array<i32>} : memref<1600xf32, #tpu.memory_space<vmem>>, vector<16xf32>,
        tpu.vector_store %arg19[%swap3A_304], %mul3A_303 {strides = array<i32>} : memref<1600xf32, #tpu.memory_space<vmem>>, vector<16xf32>,
        %mul3A_306 = arith.constant 64 : i32
        %mul3A_307 = arith.muli %scan3A_291, %mul3A_306 : i32
        %add3A_308 = arith.constant 16 : i32
        %add3A_309 = arith.addi %mul3A_307, %add3A_308 : i32
        %get3A_310 = arith.index_cast %add3A_309 : i32 to index
        %get3A_311 = tpu.vector_load %arg11[%get3A_310] {strides = array<i32>} : memref<1600xi32, #tpu.memory_space<vmem>>, vector<16xi32>,
        %gather3A_312 = tpu.vector_load_idx %arg10[%get3A_311] : memref<100000xf32, #tpu.memory_space<vmem>>[vector<16xi32>], vector<16xf32>,
        %get3A_313 = arith.index_cast %add3A_309 : i32 to index
        %get3A_314 = tpu.vector_load %arg15[%get3A_313] {strides = array<i32>} : memref<1600xi32, #tpu.memory_space<vmem>>, vector<16xi32>,
        %gather3A_315 = tpu.vector_load_idx %arg10[%get3A_314] : memref<100000xf32, #tpu.memory_space<vmem>>[vector<16xi32>], vector<16xf32>,
        %add3A_316 = arith.addf %gather3A_312, %gather3A_315 : vector<16xf32>
        %add3A_317 = arith.addf %add3A_316, %add3A_316 : vector<16xf32>
        %abs3A_318 = math.absf %add3A_317 : vector<16xf32>
        %swap3A_319 = arith.index_cast %add3A_309 : i32 to index
        %swap3A_320 = tpu.vector_load %arg17[%swap3A_319] {strides = array<i32>} : memref<1600xf32, #tpu.memory_space<vmem>>, vector<16xf32>,
        tpu.vector_store %arg17[%swap3A_319], %abs3A_318 {strides = array<i32>} : memref<1600xf32, #tpu.memory_space<vmem>>, vector<16xf32>,
        %mul3A_321 = arith.mulf %add3A_317, %add3A_317 : vector<16xf32>
        %swap3A_322 = arith.index_cast %add3A_309 : i32 to index
        %swap3A_323 = tpu.vector_load %arg19[%swap3A_322] {strides = array<i32>} : memref<1600xf32, #tpu.memory_space<vmem>>, vector<16xf32>,
        tpu.vector_store %arg19[%swap3A_322], %mul3A_321 {strides = array<i32>} : memref<1600xf32, #tpu.memory_space<vmem>>, vector<16xf32>,
        %mul3A_324 = arith.constant 64 : i32
        %mul3A_325 = arith.muli %scan3A_291, %mul3A_324 : i32
        %add3A_326 = arith.constant 32 : i32
        %add3A_327 = arith.addi %mul3A_325, %add3A_326 : i32
        %get3A_328 = arith.index_cast %add3A_327 : i32 to index
        %get3A_329 = tpu.vector_load %arg11[%get3A_328] {strides = array<i32>} : memref<1600xi32, #tpu.memory_space<vmem>>, vector<16xi32>,
        %gather3A_330 = tpu.vector_load_idx %arg10[%get3A_329] : memref<100000xf32, #tpu.memory_space<vmem>>[vector<16xi32>], vector<16xf32>,
        %get3A_331 = arith.index_cast %add3A_327 : i32 to index
        %get3A_332 = tpu.vector_load %arg15[%get3A_331] {strides = array<i32>} : memref<1600xi32, #tpu.memory_space<vmem>>, vector<16xi32>,
        %gather3A_333 = tpu.vector_load_idx %arg10[%get3A_332] : memref<100000xf32, #tpu.memory_space<vmem>>[vector<16xi32>], vector<16xf32>,
        %add3A_334 = arith.addf %gather3A_330, %gather3A_333 : vector<16xf32>
        %add3A_335 = arith.addf %add3A_334, %add3A_334 : vector<16xf32>
        %abs3A_336 = math.absf %add3A_335 : vector<16xf32>
        %swap3A_337 = arith.index_cast %add3A_327 : i32 to index
        %swap3A_338 = tpu.vector_load %arg17[%swap3A_337] {strides = array<i32>} : memref<1600xf32, #tpu.memory_space<vmem>>, vector<16xf32>,
        tpu.vector_store %arg17[%swap3A_337], %abs3A_336 {strides = array<i32>} : memref<1600xf32, #tpu.memory_space<vmem>>, vector<16xf32>,
        %mul3A_339 = arith.mulf %add3A_335, %add3A_335 : vector<16xf32>
        %swap3A_340 = arith.index_cast %add3A_327 : i32 to index
        %swap3A_341 = tpu.vector_load %arg19[%swap3A_340] {strides = array<i32>} : memref<1600xf32, #tpu.memory_space<vmem>>, vector<16xf32>,
        tpu.vector_store %arg19[%swap3A_340], %mul3A_339 {strides = array<i32>} : memref<1600xf32, #tpu.memory_space<vmem>>, vector<16xf32>,
        %mul3A_342 = arith.constant 64 : i32
        %mul3A_343 = arith.muli %scan3A_291, %mul3A_342 : i32
        %add3A_344 = arith.constant 48 : i32
        %add3A_345 = arith.addi %mul3A_343, %add3A_344 : i32
        %get3A_346 = arith.index_cast %add3A_345 : i32 to index
        %get3A_347 = tpu.vector_load %arg11[%get3A_346] {strides = array<i32>} : memref<1600xi32, #tpu.memory_space<vmem>>, vector<16xi32>,
        %gather3A_348 = tpu.vector_load_idx %arg10[%get3A_347] : memref<100000xf32, #tpu.memory_space<vmem>>[vector<16xi32>], vector<16xf32>,
        %get3A_349 = arith.index_cast %add3A_345 : i32 to index
        %get3A_350 = tpu.vector_load %arg15[%get3A_349] {strides = array<i32>} : memref<1600xi32, #tpu.memory_space<vmem>>, vector<16xi32>,
        %gather3A_351 = tpu.vector_load_idx %arg10[%get3A_350] : memref<100000xf32, #tpu.memory_space<vmem>>[vector<16xi32>], vector<16xf32>,
        %add3A_352 = arith.addf %gather3A_348, %gather3A_351 : vector<16xf32>
        %add3A_353 = arith.addf %add3A_352, %add3A_352 : vector<16xf32>
        %abs3A_354 = math.absf %add3A_353 : vector<16xf32>
        %swap3A_355 = arith.index_cast %add3A_345 : i32 to index
        %swap3A_356 = tpu.vector_load %arg17[%swap3A_355] {strides = array<i32>} : memref<1600xf32, #tpu.memory_space<vmem>>, vector<16xf32>,
        tpu.vector_store %arg17[%swap3A_355], %abs3A_354 {strides = array<i32>} : memref<1600xf32, #tpu.memory_space<vmem>>, vector<16xf32>,
        %mul3A_357 = arith.mulf %add3A_353, %add3A_353 : vector<16xf32>
        %swap3A_358 = arith.index_cast %add3A_345 : i32 to index
        %swap3A_359 = tpu.vector_load %arg19[%swap3A_358] {strides = array<i32>} : memref<1600xf32, #tpu.memory_space<vmem>>, vector<16xf32>,
        tpu.vector_store %arg19[%swap3A_358], %mul3A_357 {strides = array<i32>} : memref<1600xf32, #tpu.memory_space<vmem>>, vector<16xf32>,
      }
      %scan3A_123 = arith.constant 25 : i32
      %gt3A = arith.constant 0 : i32
      %gt3A_124 = arith.cmpi sgt, %scan3A_76, %gt3A : i32
      %convert_element_type3A_125 = arith.extui %gt3A_124 : i1 to i32
      %cond3A_126 = arith.constant 0 : i32
      %cond3A_127 = arith.cmpi ne, %convert_element_type3A_125, %cond3A_126 : i32
      scf.if %cond3A_127 {
        %dma_wait3A_291 = arith.constant 0 : i32
        %dma_wait3A_292 = tpu.memref_slice %arg21[%dma_wait3A_291] : memref<100000xf32, #tpu.memory_space<vmem_shared>> -> memref<100000xf32, #tpu.memory_space<vmem_shared>>
        tpu.wait_indirect_dma semaphore(%arg27 : memref<!tpu.dma_semaphore, #tpu.memory_space<semaphore_mem>>) src(%arg18 : memref<1600xf32, #tpu.memory_space<vmem>>) dst(%dma_wait3A_292 : memref<100000xf32, #tpu.memory_space<vmem_shared>>)
        %dma_wait3A_293 = arith.constant 0 : i32
        %dma_wait3A_294 = tpu.memref_slice %arg22[%dma_wait3A_293] : memref<100000xf32, #tpu.memory_space<vmem_shared>> -> memref<100000xf32, #tpu.memory_space<vmem_shared>>
        tpu.wait_indirect_dma semaphore(%arg27 : memref<!tpu.dma_semaphore, #tpu.memory_space<semaphore_mem>>) src(%arg20 : memref<1600xf32, #tpu.memory_space<vmem>>) dst(%dma_wait3A_294 : memref<100000xf32, #tpu.memory_space<vmem_shared>>)
      } else {
      }
      %dma_start3A_128 = arith.constant 0 : i32
      %dma_start3A_129 = tpu.memref_slice %arg21[%dma_start3A_128] : memref<100000xf32, #tpu.memory_space<vmem_shared>> -> memref<100000xf32, #tpu.memory_space<vmem_shared>>
      tpu.enqueue_indirect_dma source(%arg17 : memref<1600xf32, #tpu.memory_space<vmem>>) target(%dma_start3A_129 : memref<100000xf32, #tpu.memory_space<vmem_shared>>) offsets(%arg11 : memref<1600xi32, #tpu.memory_space<vmem>>) semaphore(%arg24 : memref<!tpu.dma_semaphore, #tpu.memory_space<semaphore_mem>>) {add = true}
      %dma_start3A_130 = arith.constant 0 : i32
      %dma_start3A_131 = tpu.memref_slice %arg22[%dma_start3A_130] : memref<100000xf32, #tpu.memory_space<vmem_shared>> -> memref<100000xf32, #tpu.memory_space<vmem_shared>>
      tpu.enqueue_indirect_dma source(%arg19 : memref<1600xf32, #tpu.memory_space<vmem>>) target(%dma_start3A_131 : memref<100000xf32, #tpu.memory_space<vmem_shared>>) offsets(%arg11 : memref<1600xi32, #tpu.memory_space<vmem>>) semaphore(%arg24 : memref<!tpu.dma_semaphore, #tpu.memory_space<semaphore_mem>>) {add = true}
      %add3A_132 = arith.constant 1 : i32
      %add3A_133 = arith.addi %mul3A_78, %add3A_132 : i32
      %mul3A_134 = arith.constant 1600 : i32
      %mul3A_135 = arith.muli %add3A_133, %mul3A_134 : i32
      %add3A_136 = arith.addi %mul3A_4, %mul3A_135 : i32
      %dma_wait3A_137 = tpu.memref_slice %arg3[%add3A_136] : memref<6400000xi32, #tpu.memory_space<hbm>> -> memref<1600xi32, #tpu.memory_space<hbm>>
      %dma_wait3A_138 = tpu.memref_slice %arg3[%add3A_136] : memref<6400000xi32, #tpu.memory_space<hbm>> -> memref<1600xi32, #tpu.memory_space<hbm>>
      tpu.wait_dma2 semaphore(%arg23 : memref<!tpu.dma_semaphore, #tpu.memory_space<semaphore_mem>>) src(%dma_wait3A_138 : memref<1600xi32, #tpu.memory_space<hbm>>) dst(%arg12 : memref<1600xi32, #tpu.memory_space<vmem>>)
      %dma_wait3A_139 = tpu.memref_slice %arg4[%add3A_136] : memref<6400000xi32, #tpu.memory_space<hbm>> -> memref<1600xi32, #tpu.memory_space<hbm>>
      %dma_wait3A_140 = tpu.memref_slice %arg4[%add3A_136] : memref<6400000xi32, #tpu.memory_space<hbm>> -> memref<1600xi32, #tpu.memory_space<hbm>>
      tpu.wait_dma2 semaphore(%arg23 : memref<!tpu.dma_semaphore, #tpu.memory_space<semaphore_mem>>) src(%dma_wait3A_140 : memref<1600xi32, #tpu.memory_space<hbm>>) dst(%arg16 : memref<1600xi32, #tpu.memory_space<vmem>>)
      %add3A_141 = arith.constant 1600 : i32
      %add3A_142 = arith.addi %add3A_136, %add3A_141 : i32
      %dma_start3A_143 = arith.constant 0 : i32
      %dma_start3A_144 = tpu.memref_slice %arg13[%dma_start3A_143] : memref<1600xi32, #tpu.memory_space<vmem>> -> memref<800xi32, #tpu.memory_space<vmem>>
      %dma_start3A_145 = tpu.memref_slice %arg3[%add3A_142] : memref<6400000xi32, #tpu.memory_space<hbm>> -> memref<800xi32, #tpu.memory_space<hbm>>
      %dma_start3A_146 = arith.constant 0 : i32
      %dma_start3A_147 = tpu.memref_slice %arg13[%dma_start3A_146] : memref<1600xi32, #tpu.memory_space<vmem>> -> memref<800xi32, #tpu.memory_space<vmem>>
      %dma_start3A_148 = tpu.memref_slice %arg3[%add3A_142] : memref<6400000xi32, #tpu.memory_space<hbm>> -> memref<800xi32, #tpu.memory_space<hbm>>
      tpu.enqueue_dma source(%dma_start3A_148 : memref<800xi32, #tpu.memory_space<hbm>>) target(%dma_start3A_147 : memref<800xi32, #tpu.memory_space<vmem>>) target_semaphore(%arg23 : memref<!tpu.dma_semaphore, #tpu.memory_space<semaphore_mem>>)
      %add3A_149 = arith.constant 800 : i32
      %add3A_150 = arith.addi %add3A_142, %add3A_149 : i32
      %dma_start3A_151 = arith.constant 800 : i32
      %dma_start3A_152 = tpu.memref_slice %arg13[%dma_start3A_151] : memref<1600xi32, #tpu.memory_space<vmem>> -> memref<800xi32, #tpu.memory_space<vmem>>
      %dma_start3A_153 = tpu.memref_slice %arg3[%add3A_150] : memref<6400000xi32, #tpu.memory_space<hbm>> -> memref<800xi32, #tpu.memory_space<hbm>>
      %dma_start3A_154 = arith.constant 800 : i32
      %dma_start3A_155 = tpu.memref_slice %arg13[%dma_start3A_154] : memref<1600xi32, #tpu.memory_space<vmem>> -> memref<800xi32, #tpu.memory_space<vmem>>
      %dma_start3A_156 = tpu.memref_slice %arg3[%add3A_150] : memref<6400000xi32, #tpu.memory_space<hbm>> -> memref<800xi32, #tpu.memory_space<hbm>>
      tpu.enqueue_dma source(%dma_start3A_156 : memref<800xi32, #tpu.memory_space<hbm>>) target(%dma_start3A_155 : memref<800xi32, #tpu.memory_space<vmem>>) target_semaphore(%arg23 : memref<!tpu.dma_semaphore, #tpu.memory_space<semaphore_mem>>)
      %dma_start3A_157 = arith.constant 0 : i32
      %dma_start3A_158 = tpu.memref_slice %arg15[%dma_start3A_157] : memref<1600xi32, #tpu.memory_space<vmem>> -> memref<800xi32, #tpu.memory_space<vmem>>
      %dma_start3A_159 = tpu.memref_slice %arg4[%add3A_142] : memref<6400000xi32, #tpu.memory_space<hbm>> -> memref<800xi32, #tpu.memory_space<hbm>>
      %dma_start3A_160 = arith.constant 0 : i32
      %dma_start3A_161 = tpu.memref_slice %arg15[%dma_start3A_160] : memref<1600xi32, #tpu.memory_space<vmem>> -> memref<800xi32, #tpu.memory_space<vmem>>
      %dma_start3A_162 = tpu.memref_slice %arg4[%add3A_142] : memref<6400000xi32, #tpu.memory_space<hbm>> -> memref<800xi32, #tpu.memory_space<hbm>>
      tpu.enqueue_dma source(%dma_start3A_162 : memref<800xi32, #tpu.memory_space<hbm>>) target(%dma_start3A_161 : memref<800xi32, #tpu.memory_space<vmem>>) target_semaphore(%arg23 : memref<!tpu.dma_semaphore, #tpu.memory_space<semaphore_mem>>)
      %add3A_163 = arith.constant 800 : i32
      %add3A_164 = arith.addi %add3A_142, %add3A_163 : i32
      %dma_start3A_165 = arith.constant 800 : i32
      %dma_start3A_166 = tpu.memref_slice %arg15[%dma_start3A_165] : memref<1600xi32, #tpu.memory_space<vmem>> -> memref<800xi32, #tpu.memory_space<vmem>>
      %dma_start3A_167 = tpu.memref_slice %arg4[%add3A_164] : memref<6400000xi32, #tpu.memory_space<hbm>> -> memref<800xi32, #tpu.memory_space<hbm>>
      %dma_start3A_168 = arith.constant 800 : i32
      %dma_start3A_169 = tpu.memref_slice %arg15[%dma_start3A_168] : memref<1600xi32, #tpu.memory_space<vmem>> -> memref<800xi32, #tpu.memory_space<vmem>>
      %dma_start3A_170 = tpu.memref_slice %arg4[%add3A_164] : memref<6400000xi32, #tpu.memory_space<hbm>> -> memref<800xi32, #tpu.memory_space<hbm>>
      tpu.enqueue_dma source(%dma_start3A_170 : memref<800xi32, #tpu.memory_space<hbm>>) target(%dma_start3A_169 : memref<800xi32, #tpu.memory_space<vmem>>) target_semaphore(%arg23 : memref<!tpu.dma_semaphore, #tpu.memory_space<semaphore_mem>>)
      %scan3A_171 = arith.constant 0 : i32
      %scan3A_172 = arith.constant 0 : i32
      %scan3A_173 = arith.constant 25 : i32
      %scan3A_174 = arith.addi %scan3A_172, %scan3A_173 : i32
      %scan3A_175 = arith.constant 1 : i32
      scf.for %scan3A_291 = %scan3A_172 to %scan3A_174 step %scan3A_175  : i32 {
        %mul3A_292 = arith.constant 64 : i32
        %mul3A_293 = arith.muli %scan3A_291, %mul3A_292 : i32
        %add3A_294 = arith.constant 0 : i32
        %add3A_295 = arith.addi %mul3A_293, %add3A_294 : i32
        %get3A = arith.index_cast %add3A_295 : i32 to index
        %get3A_296 = tpu.vector_load %arg12[%get3A] {strides = array<i32>} : memref<1600xi32, #tpu.memory_space<vmem>>, vector<16xi32>,
        %gather3A = tpu.vector_load_idx %arg10[%get3A_296] : memref<100000xf32, #tpu.memory_space<vmem>>[vector<16xi32>], vector<16xf32>,
        %get3A_297 = arith.index_cast %add3A_295 : i32 to index
        %get3A_298 = tpu.vector_load %arg16[%get3A_297] {strides = array<i32>} : memref<1600xi32, #tpu.memory_space<vmem>>, vector<16xi32>,
        %gather3A_299 = tpu.vector_load_idx %arg10[%get3A_298] : memref<100000xf32, #tpu.memory_space<vmem>>[vector<16xi32>], vector<16xf32>,
        %add3A_300 = arith.addf %gather3A, %gather3A_299 : vector<16xf32>
        %add3A_301 = arith.addf %add3A_300, %add3A_300 : vector<16xf32>
        %abs3A = math.absf %add3A_301 : vector<16xf32>
        %swap3A = arith.index_cast %add3A_295 : i32 to index
        %swap3A_302 = tpu.vector_load %arg18[%swap3A] {strides = array<i32>} : memref<1600xf32, #tpu.memory_space<vmem>>, vector<16xf32>,
        tpu.vector_store %arg18[%swap3A], %abs3A {strides = array<i32>} : memref<1600xf32, #tpu.memory_space<vmem>>, vector<16xf32>,
        %mul3A_303 = arith.mulf %add3A_301, %add3A_301 : vector<16xf32>
        %swap3A_304 = arith.index_cast %add3A_295 : i32 to index
        %swap3A_305 = tpu.vector_load %arg20[%swap3A_304] {strides = array<i32>} : memref<1600xf32, #tpu.memory_space<vmem>>, vector<16xf32>,
        tpu.vector_store %arg20[%swap3A_304], %mul3A_303 {strides = array<i32>} : memref<1600xf32, #tpu.memory_space<vmem>>, vector<16xf32>,
        %mul3A_306 = arith.constant 64 : i32
        %mul3A_307 = arith.muli %scan3A_291, %mul3A_306 : i32
        %add3A_308 = arith.constant 16 : i32
        %add3A_309 = arith.addi %mul3A_307, %add3A_308 : i32
        %get3A_310 = arith.index_cast %add3A_309 : i32 to index
        %get3A_311 = tpu.vector_load %arg12[%get3A_310] {strides = array<i32>} : memref<1600xi32, #tpu.memory_space<vmem>>, vector<16xi32>,
        %gather3A_312 = tpu.vector_load_idx %arg10[%get3A_311] : memref<100000xf32, #tpu.memory_space<vmem>>[vector<16xi32>], vector<16xf32>,
        %get3A_313 = arith.index_cast %add3A_309 : i32 to index
        %get3A_314 = tpu.vector_load %arg16[%get3A_313] {strides = array<i32>} : memref<1600xi32, #tpu.memory_space<vmem>>, vector<16xi32>,
        %gather3A_315 = tpu.vector_load_idx %arg10[%get3A_314] : memref<100000xf32, #tpu.memory_space<vmem>>[vector<16xi32>], vector<16xf32>,
        %add3A_316 = arith.addf %gather3A_312, %gather3A_315 : vector<16xf32>
        %add3A_317 = arith.addf %add3A_316, %add3A_316 : vector<16xf32>
        %abs3A_318 = math.absf %add3A_317 : vector<16xf32>
        %swap3A_319 = arith.index_cast %add3A_309 : i32 to index
        %swap3A_320 = tpu.vector_load %arg18[%swap3A_319] {strides = array<i32>} : memref<1600xf32, #tpu.memory_space<vmem>>, vector<16xf32>,
        tpu.vector_store %arg18[%swap3A_319], %abs3A_318 {strides = array<i32>} : memref<1600xf32, #tpu.memory_space<vmem>>, vector<16xf32>,
        %mul3A_321 = arith.mulf %add3A_317, %add3A_317 : vector<16xf32>
        %swap3A_322 = arith.index_cast %add3A_309 : i32 to index
        %swap3A_323 = tpu.vector_load %arg20[%swap3A_322] {strides = array<i32>} : memref<1600xf32, #tpu.memory_space<vmem>>, vector<16xf32>,
        tpu.vector_store %arg20[%swap3A_322], %mul3A_321 {strides = array<i32>} : memref<1600xf32, #tpu.memory_space<vmem>>, vector<16xf32>,
        %mul3A_324 = arith.constant 64 : i32
        %mul3A_325 = arith.muli %scan3A_291, %mul3A_324 : i32
        %add3A_326 = arith.constant 32 : i32
        %add3A_327 = arith.addi %mul3A_325, %add3A_326 : i32
        %get3A_328 = arith.index_cast %add3A_327 : i32 to index
        %get3A_329 = tpu.vector_load %arg12[%get3A_328] {strides = array<i32>} : memref<1600xi32, #tpu.memory_space<vmem>>, vector<16xi32>,
        %gather3A_330 = tpu.vector_load_idx %arg10[%get3A_329] : memref<100000xf32, #tpu.memory_space<vmem>>[vector<16xi32>], vector<16xf32>,
        %get3A_331 = arith.index_cast %add3A_327 : i32 to index
        %get3A_332 = tpu.vector_load %arg16[%get3A_331] {strides = array<i32>} : memref<1600xi32, #tpu.memory_space<vmem>>, vector<16xi32>,
        %gather3A_333 = tpu.vector_load_idx %arg10[%get3A_332] : memref<100000xf32, #tpu.memory_space<vmem>>[vector<16xi32>], vector<16xf32>,
        %add3A_334 = arith.addf %gather3A_330, %gather3A_333 : vector<16xf32>
        %add3A_335 = arith.addf %add3A_334, %add3A_334 : vector<16xf32>
        %abs3A_336 = math.absf %add3A_335 : vector<16xf32>
        %swap3A_337 = arith.index_cast %add3A_327 : i32 to index
        %swap3A_338 = tpu.vector_load %arg18[%swap3A_337] {strides = array<i32>} : memref<1600xf32, #tpu.memory_space<vmem>>, vector<16xf32>,
        tpu.vector_store %arg18[%swap3A_337], %abs3A_336 {strides = array<i32>} : memref<1600xf32, #tpu.memory_space<vmem>>, vector<16xf32>,
        %mul3A_339 = arith.mulf %add3A_335, %add3A_335 : vector<16xf32>
        %swap3A_340 = arith.index_cast %add3A_327 : i32 to index
        %swap3A_341 = tpu.vector_load %arg20[%swap3A_340] {strides = array<i32>} : memref<1600xf32, #tpu.memory_space<vmem>>, vector<16xf32>,
        tpu.vector_store %arg20[%swap3A_340], %mul3A_339 {strides = array<i32>} : memref<1600xf32, #tpu.memory_space<vmem>>, vector<16xf32>,
        %mul3A_342 = arith.constant 64 : i32
        %mul3A_343 = arith.muli %scan3A_291, %mul3A_342 : i32
        %add3A_344 = arith.constant 48 : i32
        %add3A_345 = arith.addi %mul3A_343, %add3A_344 : i32
        %get3A_346 = arith.index_cast %add3A_345 : i32 to index
        %get3A_347 = tpu.vector_load %arg12[%get3A_346] {strides = array<i32>} : memref<1600xi32, #tpu.memory_space<vmem>>, vector<16xi32>,
        %gather3A_348 = tpu.vector_load_idx %arg10[%get3A_347] : memref<100000xf32, #tpu.memory_space<vmem>>[vector<16xi32>], vector<16xf32>,
        %get3A_349 = arith.index_cast %add3A_345 : i32 to index
        %get3A_350 = tpu.vector_load %arg16[%get3A_349] {strides = array<i32>} : memref<1600xi32, #tpu.memory_space<vmem>>, vector<16xi32>,
        %gather3A_351 = tpu.vector_load_idx %arg10[%get3A_350] : memref<100000xf32, #tpu.memory_space<vmem>>[vector<16xi32>], vector<16xf32>,
        %add3A_352 = arith.addf %gather3A_348, %gather3A_351 : vector<16xf32>
        %add3A_353 = arith.addf %add3A_352, %add3A_352 : vector<16xf32>
        %abs3A_354 = math.absf %add3A_353 : vector<16xf32>
        %swap3A_355 = arith.index_cast %add3A_345 : i32 to index
        %swap3A_356 = tpu.vector_load %arg18[%swap3A_355] {strides = array<i32>} : memref<1600xf32, #tpu.memory_space<vmem>>, vector<16xf32>,
        tpu.vector_store %arg18[%swap3A_355], %abs3A_354 {strides = array<i32>} : memref<1600xf32, #tpu.memory_space<vmem>>, vector<16xf32>,
        %mul3A_357 = arith.mulf %add3A_353, %add3A_353 : vector<16xf32>
        %swap3A_358 = arith.index_cast %add3A_345 : i32 to index
        %swap3A_359 = tpu.vector_load %arg20[%swap3A_358] {strides = array<i32>} : memref<1600xf32, #tpu.memory_space<vmem>>, vector<16xf32>,
        tpu.vector_store %arg20[%swap3A_358], %mul3A_357 {strides = array<i32>} : memref<1600xf32, #tpu.memory_space<vmem>>, vector<16xf32>,
      }
      %scan3A_176 = arith.constant 25 : i32
      %dma_wait3A_177 = arith.constant 0 : i32
      %dma_wait3A_178 = tpu.memref_slice %arg21[%dma_wait3A_177] : memref<100000xf32, #tpu.memory_space<vmem_shared>> -> memref<100000xf32, #tpu.memory_space<vmem_shared>>
      tpu.wait_indirect_dma semaphore(%arg24 : memref<!tpu.dma_semaphore, #tpu.memory_space<semaphore_mem>>) src(%arg17 : memref<1600xf32, #tpu.memory_space<vmem>>) dst(%dma_wait3A_178 : memref<100000xf32, #tpu.memory_space<vmem_shared>>)
      %dma_wait3A_179 = arith.constant 0 : i32
      %dma_wait3A_180 = tpu.memref_slice %arg22[%dma_wait3A_179] : memref<100000xf32, #tpu.memory_space<vmem_shared>> -> memref<100000xf32, #tpu.memory_space<vmem_shared>>
      tpu.wait_indirect_dma semaphore(%arg24 : memref<!tpu.dma_semaphore, #tpu.memory_space<semaphore_mem>>) src(%arg19 : memref<1600xf32, #tpu.memory_space<vmem>>) dst(%dma_wait3A_180 : memref<100000xf32, #tpu.memory_space<vmem_shared>>)
      %dma_start3A_181 = arith.constant 0 : i32
      %dma_start3A_182 = tpu.memref_slice %arg21[%dma_start3A_181] : memref<100000xf32, #tpu.memory_space<vmem_shared>> -> memref<100000xf32, #tpu.memory_space<vmem_shared>>
      tpu.enqueue_indirect_dma source(%arg18 : memref<1600xf32, #tpu.memory_space<vmem>>) target(%dma_start3A_182 : memref<100000xf32, #tpu.memory_space<vmem_shared>>) offsets(%arg12 : memref<1600xi32, #tpu.memory_space<vmem>>) semaphore(%arg25 : memref<!tpu.dma_semaphore, #tpu.memory_space<semaphore_mem>>) {add = true}
      %dma_start3A_183 = arith.constant 0 : i32
      %dma_start3A_184 = tpu.memref_slice %arg22[%dma_start3A_183] : memref<100000xf32, #tpu.memory_space<vmem_shared>> -> memref<100000xf32, #tpu.memory_space<vmem_shared>>
      tpu.enqueue_indirect_dma source(%arg20 : memref<1600xf32, #tpu.memory_space<vmem>>) target(%dma_start3A_184 : memref<100000xf32, #tpu.memory_space<vmem_shared>>) offsets(%arg12 : memref<1600xi32, #tpu.memory_space<vmem>>) semaphore(%arg25 : memref<!tpu.dma_semaphore, #tpu.memory_space<semaphore_mem>>) {add = true}
      %add3A_185 = arith.constant 2 : i32
      %add3A_186 = arith.addi %mul3A_78, %add3A_185 : i32
      %mul3A_187 = arith.constant 1600 : i32
      %mul3A_188 = arith.muli %add3A_186, %mul3A_187 : i32
      %add3A_189 = arith.addi %mul3A_4, %mul3A_188 : i32
      %dma_wait3A_190 = tpu.memref_slice %arg3[%add3A_189] : memref<6400000xi32, #tpu.memory_space<hbm>> -> memref<1600xi32, #tpu.memory_space<hbm>>
      %dma_wait3A_191 = tpu.memref_slice %arg3[%add3A_189] : memref<6400000xi32, #tpu.memory_space<hbm>> -> memref<1600xi32, #tpu.memory_space<hbm>>
      tpu.wait_dma2 semaphore(%arg23 : memref<!tpu.dma_semaphore, #tpu.memory_space<semaphore_mem>>) src(%dma_wait3A_191 : memref<1600xi32, #tpu.memory_space<hbm>>) dst(%arg13 : memref<1600xi32, #tpu.memory_space<vmem>>)
      %dma_wait3A_192 = tpu.memref_slice %arg4[%add3A_189] : memref<6400000xi32, #tpu.memory_space<hbm>> -> memref<1600xi32, #tpu.memory_space<hbm>>
      %dma_wait3A_193 = tpu.memref_slice %arg4[%add3A_189] : memref<6400000xi32, #tpu.memory_space<hbm>> -> memref<1600xi32, #tpu.memory_space<hbm>>
      tpu.wait_dma2 semaphore(%arg23 : memref<!tpu.dma_semaphore, #tpu.memory_space<semaphore_mem>>) src(%dma_wait3A_193 : memref<1600xi32, #tpu.memory_space<hbm>>) dst(%arg15 : memref<1600xi32, #tpu.memory_space<vmem>>)
      %add3A_194 = arith.constant 1600 : i32
      %add3A_195 = arith.addi %add3A_189, %add3A_194 : i32
      %dma_start3A_196 = arith.constant 0 : i32
      %dma_start3A_197 = tpu.memref_slice %arg14[%dma_start3A_196] : memref<1600xi32, #tpu.memory_space<vmem>> -> memref<800xi32, #tpu.memory_space<vmem>>
      %dma_start3A_198 = tpu.memref_slice %arg3[%add3A_195] : memref<6400000xi32, #tpu.memory_space<hbm>> -> memref<800xi32, #tpu.memory_space<hbm>>
      %dma_start3A_199 = arith.constant 0 : i32
      %dma_start3A_200 = tpu.memref_slice %arg14[%dma_start3A_199] : memref<1600xi32, #tpu.memory_space<vmem>> -> memref<800xi32, #tpu.memory_space<vmem>>
      %dma_start3A_201 = tpu.memref_slice %arg3[%add3A_195] : memref<6400000xi32, #tpu.memory_space<hbm>> -> memref<800xi32, #tpu.memory_space<hbm>>
      tpu.enqueue_dma source(%dma_start3A_201 : memref<800xi32, #tpu.memory_space<hbm>>) target(%dma_start3A_200 : memref<800xi32, #tpu.memory_space<vmem>>) target_semaphore(%arg23 : memref<!tpu.dma_semaphore, #tpu.memory_space<semaphore_mem>>)
      %add3A_202 = arith.constant 800 : i32
      %add3A_203 = arith.addi %add3A_195, %add3A_202 : i32
      %dma_start3A_204 = arith.constant 800 : i32
      %dma_start3A_205 = tpu.memref_slice %arg14[%dma_start3A_204] : memref<1600xi32, #tpu.memory_space<vmem>> -> memref<800xi32, #tpu.memory_space<vmem>>
      %dma_start3A_206 = tpu.memref_slice %arg3[%add3A_203] : memref<6400000xi32, #tpu.memory_space<hbm>> -> memref<800xi32, #tpu.memory_space<hbm>>
      %dma_start3A_207 = arith.constant 800 : i32
      %dma_start3A_208 = tpu.memref_slice %arg14[%dma_start3A_207] : memref<1600xi32, #tpu.memory_space<vmem>> -> memref<800xi32, #tpu.memory_space<vmem>>
      %dma_start3A_209 = tpu.memref_slice %arg3[%add3A_203] : memref<6400000xi32, #tpu.memory_space<hbm>> -> memref<800xi32, #tpu.memory_space<hbm>>
      tpu.enqueue_dma source(%dma_start3A_209 : memref<800xi32, #tpu.memory_space<hbm>>) target(%dma_start3A_208 : memref<800xi32, #tpu.memory_space<vmem>>) target_semaphore(%arg23 : memref<!tpu.dma_semaphore, #tpu.memory_space<semaphore_mem>>)
      %dma_start3A_210 = arith.constant 0 : i32
      %dma_start3A_211 = tpu.memref_slice %arg16[%dma_start3A_210] : memref<1600xi32, #tpu.memory_space<vmem>> -> memref<800xi32, #tpu.memory_space<vmem>>
      %dma_start3A_212 = tpu.memref_slice %arg4[%add3A_195] : memref<6400000xi32, #tpu.memory_space<hbm>> -> memref<800xi32, #tpu.memory_space<hbm>>
      %dma_start3A_213 = arith.constant 0 : i32
      %dma_start3A_214 = tpu.memref_slice %arg16[%dma_start3A_213] : memref<1600xi32, #tpu.memory_space<vmem>> -> memref<800xi32, #tpu.memory_space<vmem>>
      %dma_start3A_215 = tpu.memref_slice %arg4[%add3A_195] : memref<6400000xi32, #tpu.memory_space<hbm>> -> memref<800xi32, #tpu.memory_space<hbm>>
      tpu.enqueue_dma source(%dma_start3A_215 : memref<800xi32, #tpu.memory_space<hbm>>) target(%dma_start3A_214 : memref<800xi32, #tpu.memory_space<vmem>>) target_semaphore(%arg23 : memref<!tpu.dma_semaphore, #tpu.memory_space<semaphore_mem>>)
      %add3A_216 = arith.constant 800 : i32
      %add3A_217 = arith.addi %add3A_195, %add3A_216 : i32
      %dma_start3A_218 = arith.constant 800 : i32
      %dma_start3A_219 = tpu.memref_slice %arg16[%dma_start3A_218] : memref<1600xi32, #tpu.memory_space<vmem>> -> memref<800xi32, #tpu.memory_space<vmem>>
      %dma_start3A_220 = tpu.memref_slice %arg4[%add3A_217] : memref<6400000xi32, #tpu.memory_space<hbm>> -> memref<800xi32, #tpu.memory_space<hbm>>
      %dma_start3A_221 = arith.constant 800 : i32
      %dma_start3A_222 = tpu.memref_slice %arg16[%dma_start3A_221] : memref<1600xi32, #tpu.memory_space<vmem>> -> memref<800xi32, #tpu.memory_space<vmem>>
      %dma_start3A_223 = tpu.memref_slice %arg4[%add3A_217] : memref<6400000xi32, #tpu.memory_space<hbm>> -> memref<800xi32, #tpu.memory_space<hbm>>
      tpu.enqueue_dma source(%dma_start3A_223 : memref<800xi32, #tpu.memory_space<hbm>>) target(%dma_start3A_222 : memref<800xi32, #tpu.memory_space<vmem>>) target_semaphore(%arg23 : memref<!tpu.dma_semaphore, #tpu.memory_space<semaphore_mem>>)
      %scan3A_224 = arith.constant 0 : i32
      %scan3A_225 = arith.constant 0 : i32
      %scan3A_226 = arith.constant 25 : i32
      %scan3A_227 = arith.addi %scan3A_225, %scan3A_226 : i32
      %scan3A_228 = arith.constant 1 : i32
      scf.for %scan3A_291 = %scan3A_225 to %scan3A_227 step %scan3A_228  : i32 {
        %mul3A_292 = arith.constant 64 : i32
        %mul3A_293 = arith.muli %scan3A_291, %mul3A_292 : i32
        %add3A_294 = arith.constant 0 : i32
        %add3A_295 = arith.addi %mul3A_293, %add3A_294 : i32
        %get3A = arith.index_cast %add3A_295 : i32 to index
        %get3A_296 = tpu.vector_load %arg13[%get3A] {strides = array<i32>} : memref<1600xi32, #tpu.memory_space<vmem>>, vector<16xi32>,
        %gather3A = tpu.vector_load_idx %arg10[%get3A_296] : memref<100000xf32, #tpu.memory_space<vmem>>[vector<16xi32>], vector<16xf32>,
        %get3A_297 = arith.index_cast %add3A_295 : i32 to index
        %get3A_298 = tpu.vector_load %arg15[%get3A_297] {strides = array<i32>} : memref<1600xi32, #tpu.memory_space<vmem>>, vector<16xi32>,
        %gather3A_299 = tpu.vector_load_idx %arg10[%get3A_298] : memref<100000xf32, #tpu.memory_space<vmem>>[vector<16xi32>], vector<16xf32>,
        %add3A_300 = arith.addf %gather3A, %gather3A_299 : vector<16xf32>
        %add3A_301 = arith.addf %add3A_300, %add3A_300 : vector<16xf32>
        %abs3A = math.absf %add3A_301 : vector<16xf32>
        %swap3A = arith.index_cast %add3A_295 : i32 to index
        %swap3A_302 = tpu.vector_load %arg17[%swap3A] {strides = array<i32>} : memref<1600xf32, #tpu.memory_space<vmem>>, vector<16xf32>,
        tpu.vector_store %arg17[%swap3A], %abs3A {strides = array<i32>} : memref<1600xf32, #tpu.memory_space<vmem>>, vector<16xf32>,
        %mul3A_303 = arith.mulf %add3A_301, %add3A_301 : vector<16xf32>
        %swap3A_304 = arith.index_cast %add3A_295 : i32 to index
        %swap3A_305 = tpu.vector_load %arg19[%swap3A_304] {strides = array<i32>} : memref<1600xf32, #tpu.memory_space<vmem>>, vector<16xf32>,
        tpu.vector_store %arg19[%swap3A_304], %mul3A_303 {strides = array<i32>} : memref<1600xf32, #tpu.memory_space<vmem>>, vector<16xf32>,
        %mul3A_306 = arith.constant 64 : i32
        %mul3A_307 = arith.muli %scan3A_291, %mul3A_306 : i32
        %add3A_308 = arith.constant 16 : i32
        %add3A_309 = arith.addi %mul3A_307, %add3A_308 : i32
        %get3A_310 = arith.index_cast %add3A_309 : i32 to index
        %get3A_311 = tpu.vector_load %arg13[%get3A_310] {strides = array<i32>} : memref<1600xi32, #tpu.memory_space<vmem>>, vector<16xi32>,
        %gather3A_312 = tpu.vector_load_idx %arg10[%get3A_311] : memref<100000xf32, #tpu.memory_space<vmem>>[vector<16xi32>], vector<16xf32>,
        %get3A_313 = arith.index_cast %add3A_309 : i32 to index
        %get3A_314 = tpu.vector_load %arg15[%get3A_313] {strides = array<i32>} : memref<1600xi32, #tpu.memory_space<vmem>>, vector<16xi32>,
        %gather3A_315 = tpu.vector_load_idx %arg10[%get3A_314] : memref<100000xf32, #tpu.memory_space<vmem>>[vector<16xi32>], vector<16xf32>,
        %add3A_316 = arith.addf %gather3A_312, %gather3A_315 : vector<16xf32>
        %add3A_317 = arith.addf %add3A_316, %add3A_316 : vector<16xf32>
        %abs3A_318 = math.absf %add3A_317 : vector<16xf32>
        %swap3A_319 = arith.index_cast %add3A_309 : i32 to index
        %swap3A_320 = tpu.vector_load %arg17[%swap3A_319] {strides = array<i32>} : memref<1600xf32, #tpu.memory_space<vmem>>, vector<16xf32>,
        tpu.vector_store %arg17[%swap3A_319], %abs3A_318 {strides = array<i32>} : memref<1600xf32, #tpu.memory_space<vmem>>, vector<16xf32>,
        %mul3A_321 = arith.mulf %add3A_317, %add3A_317 : vector<16xf32>
        %swap3A_322 = arith.index_cast %add3A_309 : i32 to index
        %swap3A_323 = tpu.vector_load %arg19[%swap3A_322] {strides = array<i32>} : memref<1600xf32, #tpu.memory_space<vmem>>, vector<16xf32>,
        tpu.vector_store %arg19[%swap3A_322], %mul3A_321 {strides = array<i32>} : memref<1600xf32, #tpu.memory_space<vmem>>, vector<16xf32>,
        %mul3A_324 = arith.constant 64 : i32
        %mul3A_325 = arith.muli %scan3A_291, %mul3A_324 : i32
        %add3A_326 = arith.constant 32 : i32
        %add3A_327 = arith.addi %mul3A_325, %add3A_326 : i32
        %get3A_328 = arith.index_cast %add3A_327 : i32 to index
        %get3A_329 = tpu.vector_load %arg13[%get3A_328] {strides = array<i32>} : memref<1600xi32, #tpu.memory_space<vmem>>, vector<16xi32>,
        %gather3A_330 = tpu.vector_load_idx %arg10[%get3A_329] : memref<100000xf32, #tpu.memory_space<vmem>>[vector<16xi32>], vector<16xf32>,
        %get3A_331 = arith.index_cast %add3A_327 : i32 to index
        %get3A_332 = tpu.vector_load %arg15[%get3A_331] {strides = array<i32>} : memref<1600xi32, #tpu.memory_space<vmem>>, vector<16xi32>,
        %gather3A_333 = tpu.vector_load_idx %arg10[%get3A_332] : memref<100000xf32, #tpu.memory_space<vmem>>[vector<16xi32>], vector<16xf32>,
        %add3A_334 = arith.addf %gather3A_330, %gather3A_333 : vector<16xf32>
        %add3A_335 = arith.addf %add3A_334, %add3A_334 : vector<16xf32>
        %abs3A_336 = math.absf %add3A_335 : vector<16xf32>
        %swap3A_337 = arith.index_cast %add3A_327 : i32 to index
        %swap3A_338 = tpu.vector_load %arg17[%swap3A_337] {strides = array<i32>} : memref<1600xf32, #tpu.memory_space<vmem>>, vector<16xf32>,
        tpu.vector_store %arg17[%swap3A_337], %abs3A_336 {strides = array<i32>} : memref<1600xf32, #tpu.memory_space<vmem>>, vector<16xf32>,
        %mul3A_339 = arith.mulf %add3A_335, %add3A_335 : vector<16xf32>
        %swap3A_340 = arith.index_cast %add3A_327 : i32 to index
        %swap3A_341 = tpu.vector_load %arg19[%swap3A_340] {strides = array<i32>} : memref<1600xf32, #tpu.memory_space<vmem>>, vector<16xf32>,
        tpu.vector_store %arg19[%swap3A_340], %mul3A_339 {strides = array<i32>} : memref<1600xf32, #tpu.memory_space<vmem>>, vector<16xf32>,
        %mul3A_342 = arith.constant 64 : i32
        %mul3A_343 = arith.muli %scan3A_291, %mul3A_342 : i32
        %add3A_344 = arith.constant 48 : i32
        %add3A_345 = arith.addi %mul3A_343, %add3A_344 : i32
        %get3A_346 = arith.index_cast %add3A_345 : i32 to index
        %get3A_347 = tpu.vector_load %arg13[%get3A_346] {strides = array<i32>} : memref<1600xi32, #tpu.memory_space<vmem>>, vector<16xi32>,
        %gather3A_348 = tpu.vector_load_idx %arg10[%get3A_347] : memref<100000xf32, #tpu.memory_space<vmem>>[vector<16xi32>], vector<16xf32>,
        %get3A_349 = arith.index_cast %add3A_345 : i32 to index
        %get3A_350 = tpu.vector_load %arg15[%get3A_349] {strides = array<i32>} : memref<1600xi32, #tpu.memory_space<vmem>>, vector<16xi32>,
        %gather3A_351 = tpu.vector_load_idx %arg10[%get3A_350] : memref<100000xf32, #tpu.memory_space<vmem>>[vector<16xi32>], vector<16xf32>,
        %add3A_352 = arith.addf %gather3A_348, %gather3A_351 : vector<16xf32>
        %add3A_353 = arith.addf %add3A_352, %add3A_352 : vector<16xf32>
        %abs3A_354 = math.absf %add3A_353 : vector<16xf32>
        %swap3A_355 = arith.index_cast %add3A_345 : i32 to index
        %swap3A_356 = tpu.vector_load %arg17[%swap3A_355] {strides = array<i32>} : memref<1600xf32, #tpu.memory_space<vmem>>, vector<16xf32>,
        tpu.vector_store %arg17[%swap3A_355], %abs3A_354 {strides = array<i32>} : memref<1600xf32, #tpu.memory_space<vmem>>, vector<16xf32>,
        %mul3A_357 = arith.mulf %add3A_353, %add3A_353 : vector<16xf32>
        %swap3A_358 = arith.index_cast %add3A_345 : i32 to index
        %swap3A_359 = tpu.vector_load %arg19[%swap3A_358] {strides = array<i32>} : memref<1600xf32, #tpu.memory_space<vmem>>, vector<16xf32>,
        tpu.vector_store %arg19[%swap3A_358], %mul3A_357 {strides = array<i32>} : memref<1600xf32, #tpu.memory_space<vmem>>, vector<16xf32>,
      }
      %scan3A_229 = arith.constant 25 : i32
      %dma_wait3A_230 = arith.constant 0 : i32
      %dma_wait3A_231 = tpu.memref_slice %arg21[%dma_wait3A_230] : memref<100000xf32, #tpu.memory_space<vmem_shared>> -> memref<100000xf32, #tpu.memory_space<vmem_shared>>
      tpu.wait_indirect_dma semaphore(%arg25 : memref<!tpu.dma_semaphore, #tpu.memory_space<semaphore_mem>>) src(%arg18 : memref<1600xf32, #tpu.memory_space<vmem>>) dst(%dma_wait3A_231 : memref<100000xf32, #tpu.memory_space<vmem_shared>>)
      %dma_wait3A_232 = arith.constant 0 : i32
      %dma_wait3A_233 = tpu.memref_slice %arg22[%dma_wait3A_232] : memref<100000xf32, #tpu.memory_space<vmem_shared>> -> memref<100000xf32, #tpu.memory_space<vmem_shared>>
      tpu.wait_indirect_dma semaphore(%arg25 : memref<!tpu.dma_semaphore, #tpu.memory_space<semaphore_mem>>) src(%arg20 : memref<1600xf32, #tpu.memory_space<vmem>>) dst(%dma_wait3A_233 : memref<100000xf32, #tpu.memory_space<vmem_shared>>)
      %dma_start3A_234 = arith.constant 0 : i32
      %dma_start3A_235 = tpu.memref_slice %arg21[%dma_start3A_234] : memref<100000xf32, #tpu.memory_space<vmem_shared>> -> memref<100000xf32, #tpu.memory_space<vmem_shared>>
      tpu.enqueue_indirect_dma source(%arg17 : memref<1600xf32, #tpu.memory_space<vmem>>) target(%dma_start3A_235 : memref<100000xf32, #tpu.memory_space<vmem_shared>>) offsets(%arg13 : memref<1600xi32, #tpu.memory_space<vmem>>) semaphore(%arg26 : memref<!tpu.dma_semaphore, #tpu.memory_space<semaphore_mem>>) {add = true}
      %dma_start3A_236 = arith.constant 0 : i32
      %dma_start3A_237 = tpu.memref_slice %arg22[%dma_start3A_236] : memref<100000xf32, #tpu.memory_space<vmem_shared>> -> memref<100000xf32, #tpu.memory_space<vmem_shared>>
      tpu.enqueue_indirect_dma source(%arg19 : memref<1600xf32, #tpu.memory_space<vmem>>) target(%dma_start3A_237 : memref<100000xf32, #tpu.memory_space<vmem_shared>>) offsets(%arg13 : memref<1600xi32, #tpu.memory_space<vmem>>) semaphore(%arg26 : memref<!tpu.dma_semaphore, #tpu.memory_space<semaphore_mem>>) {add = true}
      %add3A_238 = arith.constant 3 : i32
      %add3A_239 = arith.addi %mul3A_78, %add3A_238 : i32
      %mul3A_240 = arith.constant 1600 : i32
      %mul3A_241 = arith.muli %add3A_239, %mul3A_240 : i32
      %add3A_242 = arith.addi %mul3A_4, %mul3A_241 : i32
      %dma_wait3A_243 = tpu.memref_slice %arg3[%add3A_242] : memref<6400000xi32, #tpu.memory_space<hbm>> -> memref<1600xi32, #tpu.memory_space<hbm>>
      %dma_wait3A_244 = tpu.memref_slice %arg3[%add3A_242] : memref<6400000xi32, #tpu.memory_space<hbm>> -> memref<1600xi32, #tpu.memory_space<hbm>>
      tpu.wait_dma2 semaphore(%arg23 : memref<!tpu.dma_semaphore, #tpu.memory_space<semaphore_mem>>) src(%dma_wait3A_244 : memref<1600xi32, #tpu.memory_space<hbm>>) dst(%arg14 : memref<1600xi32, #tpu.memory_space<vmem>>)
      %dma_wait3A_245 = tpu.memref_slice %arg4[%add3A_242] : memref<6400000xi32, #tpu.memory_space<hbm>> -> memref<1600xi32, #tpu.memory_space<hbm>>
      %dma_wait3A_246 = tpu.memref_slice %arg4[%add3A_242] : memref<6400000xi32, #tpu.memory_space<hbm>> -> memref<1600xi32, #tpu.memory_space<hbm>>
      tpu.wait_dma2 semaphore(%arg23 : memref<!tpu.dma_semaphore, #tpu.memory_space<semaphore_mem>>) src(%dma_wait3A_246 : memref<1600xi32, #tpu.memory_space<hbm>>) dst(%arg16 : memref<1600xi32, #tpu.memory_space<vmem>>)
      %add3A_247 = arith.constant 1600 : i32
      %add3A_248 = arith.addi %add3A_242, %add3A_247 : i32
      %dma_start3A_249 = arith.constant 0 : i32
      %dma_start3A_250 = tpu.memref_slice %arg11[%dma_start3A_249] : memref<1600xi32, #tpu.memory_space<vmem>> -> memref<800xi32, #tpu.memory_space<vmem>>
      %dma_start3A_251 = tpu.memref_slice %arg3[%add3A_248] : memref<6400000xi32, #tpu.memory_space<hbm>> -> memref<800xi32, #tpu.memory_space<hbm>>
      %dma_start3A_252 = arith.constant 0 : i32
      %dma_start3A_253 = tpu.memref_slice %arg11[%dma_start3A_252] : memref<1600xi32, #tpu.memory_space<vmem>> -> memref<800xi32, #tpu.memory_space<vmem>>
      %dma_start3A_254 = tpu.memref_slice %arg3[%add3A_248] : memref<6400000xi32, #tpu.memory_space<hbm>> -> memref<800xi32, #tpu.memory_space<hbm>>
      tpu.enqueue_dma source(%dma_start3A_254 : memref<800xi32, #tpu.memory_space<hbm>>) target(%dma_start3A_253 : memref<800xi32, #tpu.memory_space<vmem>>) target_semaphore(%arg23 : memref<!tpu.dma_semaphore, #tpu.memory_space<semaphore_mem>>)
      %add3A_255 = arith.constant 800 : i32
      %add3A_256 = arith.addi %add3A_248, %add3A_255 : i32
      %dma_start3A_257 = arith.constant 800 : i32
      %dma_start3A_258 = tpu.memref_slice %arg11[%dma_start3A_257] : memref<1600xi32, #tpu.memory_space<vmem>> -> memref<800xi32, #tpu.memory_space<vmem>>
      %dma_start3A_259 = tpu.memref_slice %arg3[%add3A_256] : memref<6400000xi32, #tpu.memory_space<hbm>> -> memref<800xi32, #tpu.memory_space<hbm>>
      %dma_start3A_260 = arith.constant 800 : i32
      %dma_start3A_261 = tpu.memref_slice %arg11[%dma_start3A_260] : memref<1600xi32, #tpu.memory_space<vmem>> -> memref<800xi32, #tpu.memory_space<vmem>>
      %dma_start3A_262 = tpu.memref_slice %arg3[%add3A_256] : memref<6400000xi32, #tpu.memory_space<hbm>> -> memref<800xi32, #tpu.memory_space<hbm>>
      tpu.enqueue_dma source(%dma_start3A_262 : memref<800xi32, #tpu.memory_space<hbm>>) target(%dma_start3A_261 : memref<800xi32, #tpu.memory_space<vmem>>) target_semaphore(%arg23 : memref<!tpu.dma_semaphore, #tpu.memory_space<semaphore_mem>>)
      %dma_start3A_263 = arith.constant 0 : i32
      %dma_start3A_264 = tpu.memref_slice %arg15[%dma_start3A_263] : memref<1600xi32, #tpu.memory_space<vmem>> -> memref<800xi32, #tpu.memory_space<vmem>>
      %dma_start3A_265 = tpu.memref_slice %arg4[%add3A_248] : memref<6400000xi32, #tpu.memory_space<hbm>> -> memref<800xi32, #tpu.memory_space<hbm>>
      %dma_start3A_266 = arith.constant 0 : i32
      %dma_start3A_267 = tpu.memref_slice %arg15[%dma_start3A_266] : memref<1600xi32, #tpu.memory_space<vmem>> -> memref<800xi32, #tpu.memory_space<vmem>>
      %dma_start3A_268 = tpu.memref_slice %arg4[%add3A_248] : memref<6400000xi32, #tpu.memory_space<hbm>> -> memref<800xi32, #tpu.memory_space<hbm>>
      tpu.enqueue_dma source(%dma_start3A_268 : memref<800xi32, #tpu.memory_space<hbm>>) target(%dma_start3A_267 : memref<800xi32, #tpu.memory_space<vmem>>) target_semaphore(%arg23 : memref<!tpu.dma_semaphore, #tpu.memory_space<semaphore_mem>>)
      %add3A_269 = arith.constant 800 : i32
      %add3A_270 = arith.addi %add3A_248, %add3A_269 : i32
      %dma_start3A_271 = arith.constant 800 : i32
      %dma_start3A_272 = tpu.memref_slice %arg15[%dma_start3A_271] : memref<1600xi32, #tpu.memory_space<vmem>> -> memref<800xi32, #tpu.memory_space<vmem>>
      %dma_start3A_273 = tpu.memref_slice %arg4[%add3A_270] : memref<6400000xi32, #tpu.memory_space<hbm>> -> memref<800xi32, #tpu.memory_space<hbm>>
      %dma_start3A_274 = arith.constant 800 : i32
      %dma_start3A_275 = tpu.memref_slice %arg15[%dma_start3A_274] : memref<1600xi32, #tpu.memory_space<vmem>> -> memref<800xi32, #tpu.memory_space<vmem>>
      %dma_start3A_276 = tpu.memref_slice %arg4[%add3A_270] : memref<6400000xi32, #tpu.memory_space<hbm>> -> memref<800xi32, #tpu.memory_space<hbm>>
      tpu.enqueue_dma source(%dma_start3A_276 : memref<800xi32, #tpu.memory_space<hbm>>) target(%dma_start3A_275 : memref<800xi32, #tpu.memory_space<vmem>>) target_semaphore(%arg23 : memref<!tpu.dma_semaphore, #tpu.memory_space<semaphore_mem>>)
      %scan3A_277 = arith.constant 0 : i32
      %scan3A_278 = arith.constant 0 : i32
      %scan3A_279 = arith.constant 25 : i32
      %scan3A_280 = arith.addi %scan3A_278, %scan3A_279 : i32
      %scan3A_281 = arith.constant 1 : i32
      scf.for %scan3A_291 = %scan3A_278 to %scan3A_280 step %scan3A_281  : i32 {
        %mul3A_292 = arith.constant 64 : i32
        %mul3A_293 = arith.muli %scan3A_291, %mul3A_292 : i32
        %add3A_294 = arith.constant 0 : i32
        %add3A_295 = arith.addi %mul3A_293, %add3A_294 : i32
        %get3A = arith.index_cast %add3A_295 : i32 to index
        %get3A_296 = tpu.vector_load %arg14[%get3A] {strides = array<i32>} : memref<1600xi32, #tpu.memory_space<vmem>>, vector<16xi32>,
        %gather3A = tpu.vector_load_idx %arg10[%get3A_296] : memref<100000xf32, #tpu.memory_space<vmem>>[vector<16xi32>], vector<16xf32>,
        %get3A_297 = arith.index_cast %add3A_295 : i32 to index
        %get3A_298 = tpu.vector_load %arg16[%get3A_297] {strides = array<i32>} : memref<1600xi32, #tpu.memory_space<vmem>>, vector<16xi32>,
        %gather3A_299 = tpu.vector_load_idx %arg10[%get3A_298] : memref<100000xf32, #tpu.memory_space<vmem>>[vector<16xi32>], vector<16xf32>,
        %add3A_300 = arith.addf %gather3A, %gather3A_299 : vector<16xf32>
        %add3A_301 = arith.addf %add3A_300, %add3A_300 : vector<16xf32>
        %abs3A = math.absf %add3A_301 : vector<16xf32>
        %swap3A = arith.index_cast %add3A_295 : i32 to index
        %swap3A_302 = tpu.vector_load %arg18[%swap3A] {strides = array<i32>} : memref<1600xf32, #tpu.memory_space<vmem>>, vector<16xf32>,
        tpu.vector_store %arg18[%swap3A], %abs3A {strides = array<i32>} : memref<1600xf32, #tpu.memory_space<vmem>>, vector<16xf32>,
        %mul3A_303 = arith.mulf %add3A_301, %add3A_301 : vector<16xf32>
        %swap3A_304 = arith.index_cast %add3A_295 : i32 to index
        %swap3A_305 = tpu.vector_load %arg20[%swap3A_304] {strides = array<i32>} : memref<1600xf32, #tpu.memory_space<vmem>>, vector<16xf32>,
        tpu.vector_store %arg20[%swap3A_304], %mul3A_303 {strides = array<i32>} : memref<1600xf32, #tpu.memory_space<vmem>>, vector<16xf32>,
        %mul3A_306 = arith.constant 64 : i32
        %mul3A_307 = arith.muli %scan3A_291, %mul3A_306 : i32
        %add3A_308 = arith.constant 16 : i32
        %add3A_309 = arith.addi %mul3A_307, %add3A_308 : i32
        %get3A_310 = arith.index_cast %add3A_309 : i32 to index
        %get3A_311 = tpu.vector_load %arg14[%get3A_310] {strides = array<i32>} : memref<1600xi32, #tpu.memory_space<vmem>>, vector<16xi32>,
        %gather3A_312 = tpu.vector_load_idx %arg10[%get3A_311] : memref<100000xf32, #tpu.memory_space<vmem>>[vector<16xi32>], vector<16xf32>,
        %get3A_313 = arith.index_cast %add3A_309 : i32 to index
        %get3A_314 = tpu.vector_load %arg16[%get3A_313] {strides = array<i32>} : memref<1600xi32, #tpu.memory_space<vmem>>, vector<16xi32>,
        %gather3A_315 = tpu.vector_load_idx %arg10[%get3A_314] : memref<100000xf32, #tpu.memory_space<vmem>>[vector<16xi32>], vector<16xf32>,
        %add3A_316 = arith.addf %gather3A_312, %gather3A_315 : vector<16xf32>
        %add3A_317 = arith.addf %add3A_316, %add3A_316 : vector<16xf32>
        %abs3A_318 = math.absf %add3A_317 : vector<16xf32>
        %swap3A_319 = arith.index_cast %add3A_309 : i32 to index
        %swap3A_320 = tpu.vector_load %arg18[%swap3A_319] {strides = array<i32>} : memref<1600xf32, #tpu.memory_space<vmem>>, vector<16xf32>,
        tpu.vector_store %arg18[%swap3A_319], %abs3A_318 {strides = array<i32>} : memref<1600xf32, #tpu.memory_space<vmem>>, vector<16xf32>,
        %mul3A_321 = arith.mulf %add3A_317, %add3A_317 : vector<16xf32>
        %swap3A_322 = arith.index_cast %add3A_309 : i32 to index
        %swap3A_323 = tpu.vector_load %arg20[%swap3A_322] {strides = array<i32>} : memref<1600xf32, #tpu.memory_space<vmem>>, vector<16xf32>,
        tpu.vector_store %arg20[%swap3A_322], %mul3A_321 {strides = array<i32>} : memref<1600xf32, #tpu.memory_space<vmem>>, vector<16xf32>,
        %mul3A_324 = arith.constant 64 : i32
        %mul3A_325 = arith.muli %scan3A_291, %mul3A_324 : i32
        %add3A_326 = arith.constant 32 : i32
        %add3A_327 = arith.addi %mul3A_325, %add3A_326 : i32
        %get3A_328 = arith.index_cast %add3A_327 : i32 to index
        %get3A_329 = tpu.vector_load %arg14[%get3A_328] {strides = array<i32>} : memref<1600xi32, #tpu.memory_space<vmem>>, vector<16xi32>,
        %gather3A_330 = tpu.vector_load_idx %arg10[%get3A_329] : memref<100000xf32, #tpu.memory_space<vmem>>[vector<16xi32>], vector<16xf32>,
        %get3A_331 = arith.index_cast %add3A_327 : i32 to index
        %get3A_332 = tpu.vector_load %arg16[%get3A_331] {strides = array<i32>} : memref<1600xi32, #tpu.memory_space<vmem>>, vector<16xi32>,
        %gather3A_333 = tpu.vector_load_idx %arg10[%get3A_332] : memref<100000xf32, #tpu.memory_space<vmem>>[vector<16xi32>], vector<16xf32>,
        %add3A_334 = arith.addf %gather3A_330, %gather3A_333 : vector<16xf32>
        %add3A_335 = arith.addf %add3A_334, %add3A_334 : vector<16xf32>
        %abs3A_336 = math.absf %add3A_335 : vector<16xf32>
        %swap3A_337 = arith.index_cast %add3A_327 : i32 to index
        %swap3A_338 = tpu.vector_load %arg18[%swap3A_337] {strides = array<i32>} : memref<1600xf32, #tpu.memory_space<vmem>>, vector<16xf32>,
        tpu.vector_store %arg18[%swap3A_337], %abs3A_336 {strides = array<i32>} : memref<1600xf32, #tpu.memory_space<vmem>>, vector<16xf32>,
        %mul3A_339 = arith.mulf %add3A_335, %add3A_335 : vector<16xf32>
        %swap3A_340 = arith.index_cast %add3A_327 : i32 to index
        %swap3A_341 = tpu.vector_load %arg20[%swap3A_340] {strides = array<i32>} : memref<1600xf32, #tpu.memory_space<vmem>>, vector<16xf32>,
        tpu.vector_store %arg20[%swap3A_340], %mul3A_339 {strides = array<i32>} : memref<1600xf32, #tpu.memory_space<vmem>>, vector<16xf32>,
        %mul3A_342 = arith.constant 64 : i32
        %mul3A_343 = arith.muli %scan3A_291, %mul3A_342 : i32
        %add3A_344 = arith.constant 48 : i32
        %add3A_345 = arith.addi %mul3A_343, %add3A_344 : i32
        %get3A_346 = arith.index_cast %add3A_345 : i32 to index
        %get3A_347 = tpu.vector_load %arg14[%get3A_346] {strides = array<i32>} : memref<1600xi32, #tpu.memory_space<vmem>>, vector<16xi32>,
        %gather3A_348 = tpu.vector_load_idx %arg10[%get3A_347] : memref<100000xf32, #tpu.memory_space<vmem>>[vector<16xi32>], vector<16xf32>,
        %get3A_349 = arith.index_cast %add3A_345 : i32 to index
        %get3A_350 = tpu.vector_load %arg16[%get3A_349] {strides = array<i32>} : memref<1600xi32, #tpu.memory_space<vmem>>, vector<16xi32>,
        %gather3A_351 = tpu.vector_load_idx %arg10[%get3A_350] : memref<100000xf32, #tpu.memory_space<vmem>>[vector<16xi32>], vector<16xf32>,
        %add3A_352 = arith.addf %gather3A_348, %gather3A_351 : vector<16xf32>
        %add3A_353 = arith.addf %add3A_352, %add3A_352 : vector<16xf32>
        %abs3A_354 = math.absf %add3A_353 : vector<16xf32>
        %swap3A_355 = arith.index_cast %add3A_345 : i32 to index
        %swap3A_356 = tpu.vector_load %arg18[%swap3A_355] {strides = array<i32>} : memref<1600xf32, #tpu.memory_space<vmem>>, vector<16xf32>,
        tpu.vector_store %arg18[%swap3A_355], %abs3A_354 {strides = array<i32>} : memref<1600xf32, #tpu.memory_space<vmem>>, vector<16xf32>,
        %mul3A_357 = arith.mulf %add3A_353, %add3A_353 : vector<16xf32>
        %swap3A_358 = arith.index_cast %add3A_345 : i32 to index
        %swap3A_359 = tpu.vector_load %arg20[%swap3A_358] {strides = array<i32>} : memref<1600xf32, #tpu.memory_space<vmem>>, vector<16xf32>,
        tpu.vector_store %arg20[%swap3A_358], %mul3A_357 {strides = array<i32>} : memref<1600xf32, #tpu.memory_space<vmem>>, vector<16xf32>,
      }
      %scan3A_282 = arith.constant 25 : i32
      %dma_wait3A_283 = arith.constant 0 : i32
      %dma_wait3A_284 = tpu.memref_slice %arg21[%dma_wait3A_283] : memref<100000xf32, #tpu.memory_space<vmem_shared>> -> memref<100000xf32, #tpu.memory_space<vmem_shared>>
      tpu.wait_indirect_dma semaphore(%arg26 : memref<!tpu.dma_semaphore, #tpu.memory_space<semaphore_mem>>) src(%arg17 : memref<1600xf32, #tpu.memory_space<vmem>>) dst(%dma_wait3A_284 : memref<100000xf32, #tpu.memory_space<vmem_shared>>)
      %dma_wait3A_285 = arith.constant 0 : i32
      %dma_wait3A_286 = tpu.memref_slice %arg22[%dma_wait3A_285] : memref<100000xf32, #tpu.memory_space<vmem_shared>> -> memref<100000xf32, #tpu.memory_space<vmem_shared>>
      tpu.wait_indirect_dma semaphore(%arg26 : memref<!tpu.dma_semaphore, #tpu.memory_space<semaphore_mem>>) src(%arg19 : memref<1600xf32, #tpu.memory_space<vmem>>) dst(%dma_wait3A_286 : memref<100000xf32, #tpu.memory_space<vmem_shared>>)
      %dma_start3A_287 = arith.constant 0 : i32
      %dma_start3A_288 = tpu.memref_slice %arg21[%dma_start3A_287] : memref<100000xf32, #tpu.memory_space<vmem_shared>> -> memref<100000xf32, #tpu.memory_space<vmem_shared>>
      tpu.enqueue_indirect_dma source(%arg18 : memref<1600xf32, #tpu.memory_space<vmem>>) target(%dma_start3A_288 : memref<100000xf32, #tpu.memory_space<vmem_shared>>) offsets(%arg14 : memref<1600xi32, #tpu.memory_space<vmem>>) semaphore(%arg27 : memref<!tpu.dma_semaphore, #tpu.memory_space<semaphore_mem>>) {add = true}
      %dma_start3A_289 = arith.constant 0 : i32
      %dma_start3A_290 = tpu.memref_slice %arg22[%dma_start3A_289] : memref<100000xf32, #tpu.memory_space<vmem_shared>> -> memref<100000xf32, #tpu.memory_space<vmem_shared>>
      tpu.enqueue_indirect_dma source(%arg20 : memref<1600xf32, #tpu.memory_space<vmem>>) target(%dma_start3A_290 : memref<100000xf32, #tpu.memory_space<vmem_shared>>) offsets(%arg14 : memref<1600xi32, #tpu.memory_space<vmem>>) semaphore(%arg27 : memref<!tpu.dma_semaphore, #tpu.memory_space<semaphore_mem>>) {add = true}
    }
    %scan3A_36 = arith.constant 31 : i32
    %add3A_37 = arith.constant 198400 : i32
    %add3A_38 = arith.addi %mul3A_4, %add3A_37 : i32
    %dma_wait3A = tpu.memref_slice %arg3[%add3A_38] : memref<6400000xi32, #tpu.memory_space<hbm>> -> memref<1600xi32, #tpu.memory_space<hbm>>
    %dma_wait3A_39 = tpu.memref_slice %arg3[%add3A_38] : memref<6400000xi32, #tpu.memory_space<hbm>> -> memref<1600xi32, #tpu.memory_space<hbm>>
    tpu.wait_dma2 semaphore(%arg23 : memref<!tpu.dma_semaphore, #tpu.memory_space<semaphore_mem>>) src(%dma_wait3A_39 : memref<1600xi32, #tpu.memory_space<hbm>>) dst(%arg11 : memref<1600xi32, #tpu.memory_space<vmem>>)
    %dma_wait3A_40 = tpu.memref_slice %arg4[%add3A_38] : memref<6400000xi32, #tpu.memory_space<hbm>> -> memref<1600xi32, #tpu.memory_space<hbm>>
    %dma_wait3A_41 = tpu.memref_slice %arg4[%add3A_38] : memref<6400000xi32, #tpu.memory_space<hbm>> -> memref<1600xi32, #tpu.memory_space<hbm>>
    tpu.wait_dma2 semaphore(%arg23 : memref<!tpu.dma_semaphore, #tpu.memory_space<semaphore_mem>>) src(%dma_wait3A_41 : memref<1600xi32, #tpu.memory_space<hbm>>) dst(%arg15 : memref<1600xi32, #tpu.memory_space<vmem>>)
    %scan3A_42 = arith.constant 0 : i32
    %scan3A_43 = arith.constant 0 : i32
    %scan3A_44 = arith.constant 25 : i32
    %scan3A_45 = arith.addi %scan3A_43, %scan3A_44 : i32
    %scan3A_46 = arith.constant 1 : i32
    scf.for %scan3A_76 = %scan3A_43 to %scan3A_45 step %scan3A_46  : i32 {
      %mul3A_77 = arith.constant 64 : i32
      %mul3A_78 = arith.muli %scan3A_76, %mul3A_77 : i32
      %add3A_79 = arith.constant 0 : i32
      %add3A_80 = arith.addi %mul3A_78, %add3A_79 : i32
      %get3A = arith.index_cast %add3A_80 : i32 to index
      %get3A_81 = tpu.vector_load %arg11[%get3A] {strides = array<i32>} : memref<1600xi32, #tpu.memory_space<vmem>>, vector<16xi32>,
      %gather3A = tpu.vector_load_idx %arg10[%get3A_81] : memref<100000xf32, #tpu.memory_space<vmem>>[vector<16xi32>], vector<16xf32>,
      %get3A_82 = arith.index_cast %add3A_80 : i32 to index
      %get3A_83 = tpu.vector_load %arg15[%get3A_82] {strides = array<i32>} : memref<1600xi32, #tpu.memory_space<vmem>>, vector<16xi32>,
      %gather3A_84 = tpu.vector_load_idx %arg10[%get3A_83] : memref<100000xf32, #tpu.memory_space<vmem>>[vector<16xi32>], vector<16xf32>,
      %add3A_85 = arith.addf %gather3A, %gather3A_84 : vector<16xf32>
      %add3A_86 = arith.addf %add3A_85, %add3A_85 : vector<16xf32>
      %abs3A = math.absf %add3A_86 : vector<16xf32>
      %swap3A = arith.index_cast %add3A_80 : i32 to index
      %swap3A_87 = tpu.vector_load %arg17[%swap3A] {strides = array<i32>} : memref<1600xf32, #tpu.memory_space<vmem>>, vector<16xf32>,
      tpu.vector_store %arg17[%swap3A], %abs3A {strides = array<i32>} : memref<1600xf32, #tpu.memory_space<vmem>>, vector<16xf32>,
      %mul3A_88 = arith.mulf %add3A_86, %add3A_86 : vector<16xf32>
      %swap3A_89 = arith.index_cast %add3A_80 : i32 to index
      %swap3A_90 = tpu.vector_load %arg19[%swap3A_89] {strides = array<i32>} : memref<1600xf32, #tpu.memory_space<vmem>>, vector<16xf32>,
      tpu.vector_store %arg19[%swap3A_89], %mul3A_88 {strides = array<i32>} : memref<1600xf32, #tpu.memory_space<vmem>>, vector<16xf32>,
      %mul3A_91 = arith.constant 64 : i32
      %mul3A_92 = arith.muli %scan3A_76, %mul3A_91 : i32
      %add3A_93 = arith.constant 16 : i32
      %add3A_94 = arith.addi %mul3A_92, %add3A_93 : i32
      %get3A_95 = arith.index_cast %add3A_94 : i32 to index
      %get3A_96 = tpu.vector_load %arg11[%get3A_95] {strides = array<i32>} : memref<1600xi32, #tpu.memory_space<vmem>>, vector<16xi32>,
      %gather3A_97 = tpu.vector_load_idx %arg10[%get3A_96] : memref<100000xf32, #tpu.memory_space<vmem>>[vector<16xi32>], vector<16xf32>,
      %get3A_98 = arith.index_cast %add3A_94 : i32 to index
      %get3A_99 = tpu.vector_load %arg15[%get3A_98] {strides = array<i32>} : memref<1600xi32, #tpu.memory_space<vmem>>, vector<16xi32>,
      %gather3A_100 = tpu.vector_load_idx %arg10[%get3A_99] : memref<100000xf32, #tpu.memory_space<vmem>>[vector<16xi32>], vector<16xf32>,
      %add3A_101 = arith.addf %gather3A_97, %gather3A_100 : vector<16xf32>
      %add3A_102 = arith.addf %add3A_101, %add3A_101 : vector<16xf32>
      %abs3A_103 = math.absf %add3A_102 : vector<16xf32>
      %swap3A_104 = arith.index_cast %add3A_94 : i32 to index
      %swap3A_105 = tpu.vector_load %arg17[%swap3A_104] {strides = array<i32>} : memref<1600xf32, #tpu.memory_space<vmem>>, vector<16xf32>,
      tpu.vector_store %arg17[%swap3A_104], %abs3A_103 {strides = array<i32>} : memref<1600xf32, #tpu.memory_space<vmem>>, vector<16xf32>,
      %mul3A_106 = arith.mulf %add3A_102, %add3A_102 : vector<16xf32>
      %swap3A_107 = arith.index_cast %add3A_94 : i32 to index
      %swap3A_108 = tpu.vector_load %arg19[%swap3A_107] {strides = array<i32>} : memref<1600xf32, #tpu.memory_space<vmem>>, vector<16xf32>,
      tpu.vector_store %arg19[%swap3A_107], %mul3A_106 {strides = array<i32>} : memref<1600xf32, #tpu.memory_space<vmem>>, vector<16xf32>,
      %mul3A_109 = arith.constant 64 : i32
      %mul3A_110 = arith.muli %scan3A_76, %mul3A_109 : i32
      %add3A_111 = arith.constant 32 : i32
      %add3A_112 = arith.addi %mul3A_110, %add3A_111 : i32
      %get3A_113 = arith.index_cast %add3A_112 : i32 to index
      %get3A_114 = tpu.vector_load %arg11[%get3A_113] {strides = array<i32>} : memref<1600xi32, #tpu.memory_space<vmem>>, vector<16xi32>,
      %gather3A_115 = tpu.vector_load_idx %arg10[%get3A_114] : memref<100000xf32, #tpu.memory_space<vmem>>[vector<16xi32>], vector<16xf32>,
      %get3A_116 = arith.index_cast %add3A_112 : i32 to index
      %get3A_117 = tpu.vector_load %arg15[%get3A_116] {strides = array<i32>} : memref<1600xi32, #tpu.memory_space<vmem>>, vector<16xi32>,
      %gather3A_118 = tpu.vector_load_idx %arg10[%get3A_117] : memref<100000xf32, #tpu.memory_space<vmem>>[vector<16xi32>], vector<16xf32>,
      %add3A_119 = arith.addf %gather3A_115, %gather3A_118 : vector<16xf32>
      %add3A_120 = arith.addf %add3A_119, %add3A_119 : vector<16xf32>
      %abs3A_121 = math.absf %add3A_120 : vector<16xf32>
      %swap3A_122 = arith.index_cast %add3A_112 : i32 to index
      %swap3A_123 = tpu.vector_load %arg17[%swap3A_122] {strides = array<i32>} : memref<1600xf32, #tpu.memory_space<vmem>>, vector<16xf32>,
      tpu.vector_store %arg17[%swap3A_122], %abs3A_121 {strides = array<i32>} : memref<1600xf32, #tpu.memory_space<vmem>>, vector<16xf32>,
      %mul3A_124 = arith.mulf %add3A_120, %add3A_120 : vector<16xf32>
      %swap3A_125 = arith.index_cast %add3A_112 : i32 to index
      %swap3A_126 = tpu.vector_load %arg19[%swap3A_125] {strides = array<i32>} : memref<1600xf32, #tpu.memory_space<vmem>>, vector<16xf32>,
      tpu.vector_store %arg19[%swap3A_125], %mul3A_124 {strides = array<i32>} : memref<1600xf32, #tpu.memory_space<vmem>>, vector<16xf32>,
      %mul3A_127 = arith.constant 64 : i32
      %mul3A_128 = arith.muli %scan3A_76, %mul3A_127 : i32
      %add3A_129 = arith.constant 48 : i32
      %add3A_130 = arith.addi %mul3A_128, %add3A_129 : i32
      %get3A_131 = arith.index_cast %add3A_130 : i32 to index
      %get3A_132 = tpu.vector_load %arg11[%get3A_131] {strides = array<i32>} : memref<1600xi32, #tpu.memory_space<vmem>>, vector<16xi32>,
      %gather3A_133 = tpu.vector_load_idx %arg10[%get3A_132] : memref<100000xf32, #tpu.memory_space<vmem>>[vector<16xi32>], vector<16xf32>,
      %get3A_134 = arith.index_cast %add3A_130 : i32 to index
      %get3A_135 = tpu.vector_load %arg15[%get3A_134] {strides = array<i32>} : memref<1600xi32, #tpu.memory_space<vmem>>, vector<16xi32>,
      %gather3A_136 = tpu.vector_load_idx %arg10[%get3A_135] : memref<100000xf32, #tpu.memory_space<vmem>>[vector<16xi32>], vector<16xf32>,
      %add3A_137 = arith.addf %gather3A_133, %gather3A_136 : vector<16xf32>
      %add3A_138 = arith.addf %add3A_137, %add3A_137 : vector<16xf32>
      %abs3A_139 = math.absf %add3A_138 : vector<16xf32>
      %swap3A_140 = arith.index_cast %add3A_130 : i32 to index
      %swap3A_141 = tpu.vector_load %arg17[%swap3A_140] {strides = array<i32>} : memref<1600xf32, #tpu.memory_space<vmem>>, vector<16xf32>,
      tpu.vector_store %arg17[%swap3A_140], %abs3A_139 {strides = array<i32>} : memref<1600xf32, #tpu.memory_space<vmem>>, vector<16xf32>,
      %mul3A_142 = arith.mulf %add3A_138, %add3A_138 : vector<16xf32>
      %swap3A_143 = arith.index_cast %add3A_130 : i32 to index
      %swap3A_144 = tpu.vector_load %arg19[%swap3A_143] {strides = array<i32>} : memref<1600xf32, #tpu.memory_space<vmem>>, vector<16xf32>,
      tpu.vector_store %arg19[%swap3A_143], %mul3A_142 {strides = array<i32>} : memref<1600xf32, #tpu.memory_space<vmem>>, vector<16xf32>,
    }
    %scan3A_47 = arith.constant 25 : i32
    %dma_wait3A_48 = arith.constant 0 : i32
    %dma_wait3A_49 = tpu.memref_slice %arg21[%dma_wait3A_48] : memref<100000xf32, #tpu.memory_space<vmem_shared>> -> memref<100000xf32, #tpu.memory_space<vmem_shared>>
    tpu.wait_indirect_dma semaphore(%arg27 : memref<!tpu.dma_semaphore, #tpu.memory_space<semaphore_mem>>) src(%arg18 : memref<1600xf32, #tpu.memory_space<vmem>>) dst(%dma_wait3A_49 : memref<100000xf32, #tpu.memory_space<vmem_shared>>)
    %dma_wait3A_50 = arith.constant 0 : i32
    %dma_wait3A_51 = tpu.memref_slice %arg22[%dma_wait3A_50] : memref<100000xf32, #tpu.memory_space<vmem_shared>> -> memref<100000xf32, #tpu.memory_space<vmem_shared>>
    tpu.wait_indirect_dma semaphore(%arg27 : memref<!tpu.dma_semaphore, #tpu.memory_space<semaphore_mem>>) src(%arg20 : memref<1600xf32, #tpu.memory_space<vmem>>) dst(%dma_wait3A_51 : memref<100000xf32, #tpu.memory_space<vmem_shared>>)
    %dma_start3A_52 = arith.constant 0 : i32
    %dma_start3A_53 = tpu.memref_slice %arg21[%dma_start3A_52] : memref<100000xf32, #tpu.memory_space<vmem_shared>> -> memref<100000xf32, #tpu.memory_space<vmem_shared>>
    tpu.enqueue_indirect_dma source(%arg17 : memref<1600xf32, #tpu.memory_space<vmem>>) target(%dma_start3A_53 : memref<100000xf32, #tpu.memory_space<vmem_shared>>) offsets(%arg11 : memref<1600xi32, #tpu.memory_space<vmem>>) semaphore(%arg24 : memref<!tpu.dma_semaphore, #tpu.memory_space<semaphore_mem>>) {add = true}
    %dma_start3A_54 = arith.constant 0 : i32
    %dma_start3A_55 = tpu.memref_slice %arg22[%dma_start3A_54] : memref<100000xf32, #tpu.memory_space<vmem_shared>> -> memref<100000xf32, #tpu.memory_space<vmem_shared>>
    tpu.enqueue_indirect_dma source(%arg19 : memref<1600xf32, #tpu.memory_space<vmem>>) target(%dma_start3A_55 : memref<100000xf32, #tpu.memory_space<vmem_shared>>) offsets(%arg11 : memref<1600xi32, #tpu.memory_space<vmem>>) semaphore(%arg24 : memref<!tpu.dma_semaphore, #tpu.memory_space<semaphore_mem>>) {add = true}
    %dma_wait3A_56 = arith.constant 0 : i32
    %dma_wait3A_57 = tpu.memref_slice %arg21[%dma_wait3A_56] : memref<100000xf32, #tpu.memory_space<vmem_shared>> -> memref<100000xf32, #tpu.memory_space<vmem_shared>>
    tpu.wait_indirect_dma semaphore(%arg24 : memref<!tpu.dma_semaphore, #tpu.memory_space<semaphore_mem>>) src(%arg17 : memref<1600xf32, #tpu.memory_space<vmem>>) dst(%dma_wait3A_57 : memref<100000xf32, #tpu.memory_space<vmem_shared>>)
    %dma_wait3A_58 = arith.constant 0 : i32
    %dma_wait3A_59 = tpu.memref_slice %arg22[%dma_wait3A_58] : memref<100000xf32, #tpu.memory_space<vmem_shared>> -> memref<100000xf32, #tpu.memory_space<vmem_shared>>
    tpu.wait_indirect_dma semaphore(%arg24 : memref<!tpu.dma_semaphore, #tpu.memory_space<semaphore_mem>>) src(%arg19 : memref<1600xf32, #tpu.memory_space<vmem>>) dst(%dma_wait3A_59 : memref<100000xf32, #tpu.memory_space<vmem_shared>>)
    %barrier3A_60 = arith.constant 0 : index
    tpu.barrier barrier_id(%barrier3A_60)
    %eq3A_61 = arith.constant 0 : i32
    %eq3A_62 = arith.cmpi eq, %arg1, %eq3A_61 : i32
    %eq3A_63 = arith.constant 0 : i32
    %eq3A_64 = arith.cmpi eq, %arg0, %eq3A_63 : i32
    %and3A = arith.andi %eq3A_62, %eq3A_64 : i1
    %convert_element_type3A_65 = arith.extui %and3A : i1 to i32
    %cond3A_66 = arith.constant 0 : i32
    %cond3A_67 = arith.cmpi ne, %convert_element_type3A_65, %cond3A_66 : i32
    scf.if %cond3A_67 {
      "tpu.region"() ({
        %run_scoped3A = tpu.sem_alloc : memref<!tpu.dma_semaphore, #tpu.memory_space<semaphore_mem>>
        tpu.enqueue_dma source(%arg21 : memref<100000xf32, #tpu.memory_space<vmem_shared>>) target(%arg6 : memref<100000xf32, #tpu.memory_space<hbm>>) target_semaphore(%run_scoped3A : memref<!tpu.dma_semaphore, #tpu.memory_space<semaphore_mem>>)
        tpu.wait_dma2 semaphore(%run_scoped3A : memref<!tpu.dma_semaphore, #tpu.memory_space<semaphore_mem>>) src(%arg21 : memref<100000xf32, #tpu.memory_space<vmem_shared>>) dst(%arg6 : memref<100000xf32, #tpu.memory_space<hbm>>)
        tpu.yield
      }) : () -> ()
      "tpu.region"() ({
        %run_scoped3A = tpu.sem_alloc : memref<!tpu.dma_semaphore, #tpu.memory_space<semaphore_mem>>
        tpu.enqueue_dma source(%arg22 : memref<100000xf32, #tpu.memory_space<vmem_shared>>) target(%arg8 : memref<100000xf32, #tpu.memory_space<hbm>>) target_semaphore(%run_scoped3A : memref<!tpu.dma_semaphore, #tpu.memory_space<semaphore_mem>>)
        tpu.wait_dma2 semaphore(%run_scoped3A : memref<!tpu.dma_semaphore, #tpu.memory_space<semaphore_mem>>) src(%arg22 : memref<100000xf32, #tpu.memory_space<vmem_shared>>) dst(%arg8 : memref<100000xf32, #tpu.memory_space<hbm>>)
        tpu.yield
      }) : () -> ()
    } else {
    }
    %eq3A_68 = arith.constant 0 : i32
    %eq3A_69 = arith.cmpi eq, %arg1, %eq3A_68 : i32
    %eq3A_70 = arith.constant 1 : i32
    %eq3A_71 = arith.cmpi eq, %arg0, %eq3A_70 : i32
    %and3A_72 = arith.andi %eq3A_69, %eq3A_71 : i1
    %convert_element_type3A_73 = arith.extui %and3A_72 : i1 to i32
    %cond3A_74 = arith.constant 0 : i32
    %cond3A_75 = arith.cmpi ne, %convert_element_type3A_73, %cond3A_74 : i32
    scf.if %cond3A_75 {
      "tpu.region"() ({
        %run_scoped3A = tpu.sem_alloc : memref<!tpu.dma_semaphore, #tpu.memory_space<semaphore_mem>>
        tpu.enqueue_dma source(%arg21 : memref<100000xf32, #tpu.memory_space<vmem_shared>>) target(%arg7 : memref<100000xf32, #tpu.memory_space<hbm>>) target_semaphore(%run_scoped3A : memref<!tpu.dma_semaphore, #tpu.memory_space<semaphore_mem>>)
        tpu.wait_dma2 semaphore(%run_scoped3A : memref<!tpu.dma_semaphore, #tpu.memory_space<semaphore_mem>>) src(%arg21 : memref<100000xf32, #tpu.memory_space<vmem_shared>>) dst(%arg7 : memref<100000xf32, #tpu.memory_space<hbm>>)
        tpu.yield
      }) : () -> ()
      "tpu.region"() ({
        %run_scoped3A = tpu.sem_alloc : memref<!tpu.dma_semaphore, #tpu.memory_space<semaphore_mem>>
        tpu.enqueue_dma source(%arg22 : memref<100000xf32, #tpu.memory_space<vmem_shared>>) target(%arg9 : memref<100000xf32, #tpu.memory_space<hbm>>) target_semaphore(%run_scoped3A : memref<!tpu.dma_semaphore, #tpu.memory_space<semaphore_mem>>)
        tpu.wait_dma2 semaphore(%run_scoped3A : memref<!tpu.dma_semaphore, #tpu.memory_space<semaphore_mem>>) src(%arg22 : memref<100000xf32, #tpu.memory_space<vmem_shared>>) dst(%arg9 : memref<100000xf32, #tpu.memory_space<hbm>>)
        tpu.yield
      }) : () -> ()
    } else {
    }
    return
  }
}

</mosaic_0001>

<sc_bundles>
// kernel: _edge_pass.3.cloned.1.call-start
scs
__scs_entry_jumppad:
0x0: {  	(pc) =	sbr.rel $0x88, $3  }
0x1: {  	(tag) =	ssettag $0x0;
	lr =	simm.s32 $0x1  }
0x2: {  	[smem:$0x3F9D] =	sst lr;
	_ =	strace $0xD0000000  }
0x3: {  	_ = 	snop  }
0x4: {  	_ = 	snop  }
0x5: {  	_ = 	snop  }
0x6: {  	_ = 	snop  }
0x7: {  	_ = 	snop  }
__scs_overlays_trampoline_lowered:
0x8: {  	[smem:$0x3FAC] =	sst s0  }
0x9: {  	[smem:$0x3FAD] =	sst s1  }
0xa: {  	[smem:$0x3FAE] =	sst s2  }
0xb: {  	[smem:$0x3FAF] =	sst s3  }
0xc: {  	[smem:$0x3FB0] =	sst s4  }
0xd: {  	[smem:$0x3FB1] =	sst s5  }
0xe: {  	[smem:$0x3FB2] =	sst s6  }
0xf: {  	[smem:$0x3FB3] =	sst s7  }
0x10: {  	[smem:$0x3FB4] =	sst s8  }
0x11: {  	[smem:$0x3FB5] =	sst s9;
	s0 =	simm.s32 @!p0 $0x0  }
0x12: {  	s1 =	sld [smem:$0x3F9B];
	s0 =	simm.s32 @p0 $0x1  }
0x13: {  	[smem:$0x3FB6] =	sst s0;
	s0 =	simm.s32 @!p1 $0x0  }
0x14: {  	s2 =	sld [smem:$0x3F9A];
	s0 =	simm.s32 @p1 $0x1  }
0x15: {  	[smem:$0x3FB7] =	sst s0;
	s0 =	simm.s32 @!p2 $0x0  }
0x16: {  	s3 =	sld [smem:$0x3FDB];
	s0 =	simm.s32 @p2 $0x1  }
0x17: {  	s4 =	simm.s32 $0x1BF5;
	[smem:$0x3FB9] =	sst s0  }
0x18: {  	s0 =	sld [smem:$0x3F9C];
	_ =	swait.ge [sflag:s4], $0x0  }
0x19: {  	s7 =	sld [smem:$0x3F9D]  }
0x1a: {  	s8 =	sadd.s32 $0xFFFFE003, lr  }
0x1b: {  	s9 =	sadd.s32 $0xFFFFFEF7, lr;
	s5 =	simm.s32 $0xFFFFFFFF;
	p2 =	slt.u32 s8, $0xFFFFF086  }
0x1c: {  	p1 =	slt.u32 s9, $0xF7A;
	s5 =	simm.s32 @!p2 $0x0  }
0x1d: {  	s5 =	simm.s32 @p1 $0x1;
	p0 =	seq.s32 s7, s2  }
0x1e: {  	s7 =	smul.u32 @!p0 $0xF7A, s2;
	p2 =	seq.s32 @!p0 s5, $0x0  }
0x1f: {  	s9 =	smul.u32 $0xF7A, s1;
	s8 =	simm.s32 @!p0 $0x1BF5;
	p2 =	por !p2, p0  }
0x20: {  	[sflag:s8] =	ssyncset.s32 @!p0 $0xFFFFF086;
	s6 =	sadd.s32 @!p0 s3, s7;
	s7 =	simm.s32 @!p0 $0x108  }
0x21: {  	s3 =	sadd.s32 s3, s9;
	s6 =	sadd.s32 @!p0 $0x88, s6;
	s7 =	simm.s32 @p2 $0x1082  }
0x22: {  	[simem:s7], [sflag:s8] =	dma.local @!p0 [hbm:s6], $0xF7A  }
0x23: {  	s9 =	sor.u32 $0xD0000000, s2;
	s6 =	simm.s32 $0x108;
	_ =	swait.ge @!p0 [sflag:s8], $0x0  }
0x24: {  	s3 =	sadd.s32 $0x88, s3;
	s6 =	simm.s32 @!p1 $0x1082;
	[sflag:s4] =	ssyncset.s32 $0xFFFFF086  }
0x25: {  	[simem:s6], [sflag:s4] =	dma.local [hbm:s3], $0xF7A  }
0x26: {  	[smem:$0x3F9D] =	sst s1;
	(tag) =	ssettag s2;
	_ =	strace s9  }
0x27: {  	s1 =	sld [smem:$0x3FAD]  }
0x28: {  	s2 =	sld [smem:$0x3FAE]  }
0x29: {  	s4 =	sld [smem:$0x3FB0]  }
0x2a: {  	p0 =	seq.s32 s5, $0x0;
	s5 =	sld [smem:$0x3FB1]  }
0x2b: {  	s6 =	sld [smem:$0x3FB2]  }
0x2c: {  	s7 =	sld [smem:$0x3FB3]  }
0x2d: {  	s3 =	simm.s32 $0x108;
	s8 =	sld [smem:$0x3FB4]  }
0x2e: {  	s3 =	simm.s32 @!p0 $0x1082;
	s9 =	sld [smem:$0x3FB5]  }
0x2f: {  	lr =	sadd.s32 s0, s3;
	s0 =	sld [smem:$0x3FAC]  }
0x30: {  	s3 =	sld [smem:$0x3FAF]  }
0x31: {  	[smem:$0x3FB8] =	sst s10  }
0x32: {  	s10 =	sld [smem:$0x3FB6];
	_ =	sdelay $0x3  }
0x33: {  	p0 =	seq.s32 s10, $0x1;
	s10 =	sld [smem:$0x3FB8];
	_ =	sdelay $0x3  }
0x34: {  	[smem:$0x3FB8] =	sst s10  }
0x35: {  	s10 =	sld [smem:$0x3FB7];
	_ =	sdelay $0x3  }
0x36: {  	p1 =	seq.s32 s10, $0x1;
	s10 =	sld [smem:$0x3FB8];
	_ =	sdelay $0x3  }
0x37: {  	[smem:$0x3FB8] =	sst s10  }
0x38: {  	s10 =	sld [smem:$0x3FB9]  }
0x39: {  	_ = 	snop;
	(pc) =	sbr.ind lr, $3  }
0x3a: {  	_ = 	snop  }
0x3b: {  	_ = 	snop  }
0x3c: {  	p2 =	seq.s32 s10, $0x1;
	s10 =	sld [smem:$0x3FB8]  }
0x3d: {  	_ =	shalt  }
0x3e: {  	_ =	shalt  }
0x3f: {  	_ =	shalt  }
0x40: {  	_ =	shalt  }
0x41: {  	_ =	shalt  }
0x42: {  	_ =	shalt  }
0x43: {  	_ =	shalt  }
0x44: {  	_ =	shalt  }
0x45: {  	_ =	shalt  }
0x46: {  	_ =	shalt  }
0x47: {  	_ =	shalt  }
0x48: {  	_ =	shalt  }
0x49: {  	_ =	shalt  }
0x4a: {  	_ =	shalt  }
0x4b: {  	_ =	shalt  }
0x4c: {  	_ =	shalt  }
0x4d: {  	_ =	shalt  }
0x4e: {  	_ =	shalt  }
0x4f: {  	_ =	shalt  }
0x50: {  	_ =	shalt  }
0x51: {  	_ =	shalt  }
0x52: {  	_ =	shalt  }
0x53: {  	_ =	shalt  }
0x54: {  	_ =	shalt  }
0x55: {  	_ =	shalt  }
0x56: {  	_ =	shalt  }
0x57: {  	_ =	shalt  }
0x58: {  	_ =	shalt  }
0x59: {  	_ =	shalt  }
0x5a: {  	_ =	shalt  }
0x5b: {  	_ =	shalt  }
0x5c: {  	_ =	shalt  }
0x5d: {  	_ =	shalt  }
0x5e: {  	_ =	shalt  }
0x5f: {  	_ =	shalt  }
0x60: {  	_ =	shalt  }
0x61: {  	_ =	shalt  }
0x62: {  	_ =	shalt  }
0x63: {  	_ =	shalt  }
0x64: {  	_ =	shalt  }
0x65: {  	_ =	shalt  }
0x66: {  	_ =	shalt  }
0x67: {  	_ =	shalt  }
0x68: {  	_ =	shalt  }
0x69: {  	_ =	shalt  }
0x6a: {  	_ =	shalt  }
0x6b: {  	_ =	shalt  }
0x6c: {  	_ =	shalt  }
0x6d: {  	_ =	shalt  }
0x6e: {  	_ =	shalt  }
0x6f: {  	_ =	shalt  }
0x70: {  	_ =	shalt  }
0x71: {  	_ =	shalt  }
0x72: {  	_ =	shalt  }
0x73: {  	_ =	shalt  }
0x74: {  	_ =	shalt  }
0x75: {  	_ =	shalt  }
0x76: {  	_ =	shalt  }
0x77: {  	_ =	shalt  }
0x78: {  	_ =	shalt  }
0x79: {  	_ =	shalt  }
0x7a: {  	_ =	shalt  }
0x7b: {  	_ =	shalt  }
0x7c: {  	_ =	shalt  }
0x7d: {  	_ =	shalt  }
0x7e: {  	_ =	shalt  }
0x7f: {  	_ =	shalt  }
0x80: {  	_ =	shalt  }
0x81: {  	_ =	shalt  }
0x82: {  	_ =	shalt  }
0x83: {  	_ =	shalt  }
0x84: {  	_ =	shalt  }
0x85: {  	_ =	shalt  }
0x86: {  	_ =	shalt  }
0x87: {  	_ =	shalt  }
.Lfunc_end0:
.L_simem_size_0:
called_computation_lowered:
.L_overlay_start_0:
0x88: {  	s2 =	sld [smem:$0x3FD9]  }
0x89: {  	s3 =	sld [smem:$0x3FFE];
	_ =	sdelay $0x1  }
0x8a: {  	s1 =	srdreg.scid  }
0x8b: {  	s0 =	sand.u32 $0x1, s1  }
0x8c: {  	s15 =	sshll.u32 s0, $0xA;
	s2 =	sadd.s32 s3, s2  }
0x8d: {  	s2 =	sadd.s32 s2, s15  }
0x8e: {  	[smem:$0x3FC4] =	sst s2  }
0x8f: {  	_ = 	snop  }
0x90: {  	s2 =	sld [smem:$0x3FC9]  }
0x91: {  	s16 =	sld [smem:$0x3FD0]  }
0x92: {  	s4 =	sld [smem:$0x3FC8]  }
0x93: {  	s5 =	sld [smem:$0x3FC7]  }
0x94: {  	s7 =	simm.s32 $0xA;
	s8 =	simm.s32 $0x10;
	s6 =	sld [smem:$0x3FC6]  }
0x95: {  	[smem:s8], [sflag:s7] =	dma.local [hbm:s16], $0x1  }
0x96: {  	_ =	swait.eq [sflag:s7], $0x1  }
0x97: {  	s17 =	sld [smem:$0x10]  }
0x98: {  	s18 =	sld [smem:$0x11];
	[sflag:s7] =	ssyncset.done $0x0  }
0x99: {  	s9 =	sld [smem:$0x12];
	[sflag:s7] =	ssyncadd.s32 $0xFFFFFFFF  }
0x9a: {  	s19 =	sld [smem:$0x13];
	(tm) =	ssettm $0x1  }
0x9b: {  	s10 =	sld [smem:$0x3FFB];
	_ =	sdelay $0x3  }
0x9c: {  	_ =	strace s10  }
0x9d: {  	s10 =	sld [smem:$0x3FFC];
	_ =	sdelay $0x3  }
0x9e: {  	_ =	strace s10  }
0x9f: {  	s10 =	sld [smem:$0x3FFD];
	_ =	sdelay $0x3  }
0xa0: {  	_ =	strace s10  }
0xa1: {  	_ =	strace $0x8FFFFFFF  }
0xa2: {  	s20 =	sld [smem:$0x3FDB];
	_ =	sdelay $0x1  }
0xa3: {  	s11 =	simm.s32 $_scs_section_size  }
0xa4: {  	s12 =	simm.s32 $_size__tile_overlayer_lowered;
	s13 =	simm.s32 $_tile_overlayer_lowered  }
0xa5: {  	s23 =	simm.s32 $0x1BFF;
	s22 =	sshll.u32 s13, $0x1;
	s10 =	sadd.s32 s11, s20  }
0xa6: {  	s14 =	simm.s32 $0x0;
	s21 =	sshll.u32 s12, $0x1;
	s12 =	sadd.s32 s22, s10  }
0xa7: {  	[timem:s14], [sflag:s23] =	dma.local [hbm:s12], s21  }
0xa8: {  	_ =	swait.ge [sflag:s23], s21  }
0xa9: {  	s11 =	ssub.s32 $0x0, s21;
	[sflag:s23] =	ssyncset.done $0x0  }
0xaa: {  	[sflag:s23] =	ssyncadd.s32 s11;
	_ =	sdelay $0x1  }
0xab: {  	s24 =	simm.s32 $0x1B8B  }
0xac: {  	_ =	swait.ge [sflag:s24], $0x1  }
0xad: {  	[sflag:s24] =	ssyncset.done $0x0  }
0xae: {  	s25 =	simm.s32 $0x1B8E;
	[sflag:s24] =	ssyncadd.s32 $0xFFFFFFFF  }
0xaf: {  	s26 =	simm.s32 $execute0_lowered;
	[smem:$0x3FD2] =	sst s25  }
0xb0: {  	s11 =	sshll.u32 s26, $0x1;
	_ =	strace $0x80000046;
	[dreg:$0x1] =	wrdreg $0xFFFFFFFF  }
0xb1: {  	s28 =	simm.s32 $_size_execute0_lowered;
	s10 =	sadd.s32 s10, s11;
	[dreg:$0x0] =	wrdreg $0x0  }
0xb2: {  	s11 =	sshll.u32 s28, $0x1;
	[dreg:$0x2] =	wrdreg s10  }
0xb3: {  	[dreg:$0x3] =	wrdreg s11  }
0xb4: {  	[dreg:$0x4] =	wrdreg $0xC0  }
0xb5: {  	_ =	task [dreg:s14], $0x5FFFF  }
0xb6: {  	[dreg:$0x1] =	wrdreg $0xFFFFFFFF  }
0xb7: {  	[dreg:$0x0] =	wrdreg $0x60  }
0xb8: {  	[dreg:$0x2] =	wrdreg s2  }
0xb9: {  	[dreg:$0x3] =	wrdreg s4  }
0xba: {  	[dreg:$0x4] =	wrdreg s5  }
0xbb: {  	[dreg:$0x5] =	wrdreg s6  }
0xbc: {  	[dreg:$0x6] =	wrdreg s17  }
0xbd: {  	[dreg:$0x7] =	wrdreg s18  }
0xbe: {  	[dreg:$0x8] =	wrdreg s9  }
0xbf: {  	[dreg:$0x9] =	wrdreg s19  }
0xc0: {  	[dreg:$0xa] =	wrdreg $0x1C8000  }
0xc1: {  	[dreg:$0xb] =	wrdreg $0x1E0700  }
0xc2: {  	[dreg:$0xc] =	wrdreg $0x9  }
0xc3: {  	_ =	task.clear_ibuf [dreg:s14], $0xDFFFF;
	_ =	strace $0x90000046  }
0xc4: {  	s29 =	simm.s32 $0x9;
	_ =	strace $0x80000048  }
0xc5: {  	_ =	swait.ge [sflag:s29], $0x1  }
0xc6: {  	[sflag:s29] =	ssyncadd.s32 $0xFFFFFFFF  }
0xc7: {  	_ =	strace $0x90000048  }
0xc8: {  	_ =	sfence  }
0xc9: {  	s30 =	sld [smem:$0x0];
	_ =	sdelay $0x2  }
0xca: {  	s31 =	sshll.u32 s1, $0xD;
	s1 =	sshrl.u32 s1, $0x2  }
0xcb: {  	s3 =	sand.u32 $0x4000, s31;
	s1 =	sadd.s32 s1, s30  }
0xcc: {  	s0 =	sor.u32 s3, s0;
	s1 =	sshll.u32 s1, $0x11  }
0xcd: {  	s0 =	sor.u32 s1, s0  }
0xce: {  	s0 =	sadd.s32 $0x8F2B, s0  }
0xcf: {  	[sflag:s0] =	ssyncadd.remote.s32 $0x1  }
0xd0: {  	_ =	sfence.sel $0xFFFF  }
0xd1: {  	[dreg:$0x0] =	wrdreg $0xFFFFFFFF;
	(pc) =	sbr.abs _section_cstart, $3  }
0xd2: {  	[dreg:$0x1] =	wrdreg $0xFFFFFFFF  }
0xd3: {  	_ =	task.clear_ibuf [dreg:s14], $0x2FFFF;
	_ =	strace $0x9FFFFFFF  }
0xd4: {  	(tm) =	ssettm $0x7FFFFFFF  }
0xd5: {  	_ =	shalt  }
tec
execute0_lowered:
.L_overlay_start_1:
0x0: {  	(tag) =	ssettag $0x1  }
0x1: {  	s1 =	rddreg [dreg:$0x1]  }
0x2: {  	s2 =	rddreg [dreg:$0x2]  }
0x3: {  	s0 =	srdreg.scid;
	s9 =	rddreg [dreg:$0x8]  }
0x4: {  	s10 =	rddreg [dreg:$0x9];
	s6 =	stileid.u32  }
0x5: {  	s12 =	simm.s32 $0x0;
	s28 =	simm.s32 $0x1A100;
	s29 =	simm.s32 $0x1A420  }
0x6: {  	s30 =	simm.s32 $0x1;
	s31 =	simm.s32 $0x18D80;
	s11 =	simm.s32 $0x19400  }
0x7: {  	s14 =	simm.s32 $0x2;
	s15 =	simm.s32 $0x1B480;
	s16 =	simm.s32 $0x1C180  }
0x8: {  	s17 =	simm.s32 $0x19A80;
	s13 =	simm.s32 $0x0;
	s0 =	sand.u32 $0x1, s0  }
0x9: {  	[smem:$0x7FF] =	sst s12;
	p0 =	seq.s32 s6, $0x0;
	s3 =	sshll.u32 s0, $0x4  }
0xa: {  	s4 =	ssub.s32 $0x2, s0;
	_ =	strace $0x80000047;
	p1 =	seq.s32 s0, $0x1  }
0xb: {  	s0 =	sor.u32 s0, s6;
	s3 =	sor.u32 s6, s3;
	s21 =	sshrl.u32 s4, $0x1  }
0xc: {  	p0 =	por !p0, !p1;
	p2 =	sne.s32 s0, $0x0;
	s0 =	simm.s32 $0x1A780  }
0xd: {  	s7 =	smul.u32 $0x30D40, s3;
	s3 =	ssub.s32 s4, s21;
	p1 =	por !p0, !p0  }
0xe: {  	p0 =	sne.s32 s6, $0x0;
	s6 =	simm.s32 $0x1AE00;
	s3 =	smax.u32 s3, $0x1  }
0xf: {  	s22 =	sshrl.u32 s7, $0x3;
	s25 =	sadd.s32 $0x640, s7;
	[dreg:$0x10] =	wrdreg s3  }
0x10: {  	s26 =	sadd.s32 $0xC80, s7;
	s18 =	smov.u32 s7;
	[dreg:$0xf] =	wrdreg s25  }
0x11: {  	s20 =	sadd.s32 $0x12C0, s7;
	s3 =	sshrl.u32 @!p0 s9, $0x3;
	[dreg:$0x13] =	wrdreg s26  }
0x12: {  	s7 =	simm.s32 $0x1BB00;
	s5 =	sadd.s32 s1, s22;
	[dreg:$0x11] =	wrdreg s3  }
0x13: {  	s23 =	sadd.s32 $0x64, s22;
	s4 =	sadd.s32 s2, s22;
	[dreg:$0xb] =	wrdreg s5  }
0x14: {  	s3 =	sshrl.u32 @!p0 s10, $0x3;
	s25 =	simm.s32 $0x18700;
	[dreg:$0xd] =	wrdreg s4  }
0x15: {  	s8 =	sadd.s32 s1, s23;
	s24 =	sadd.s32 s2, s23;
	[dreg:$0x12] =	wrdreg s3  }
0x16: {  	s4 =	simm.s32 $0x1AAA0;
	s5 =	simm.s32 $0x640;
	[dreg:$0xc] =	wrdreg s8  }
0x17: {  	s23 =	simm.s32 $0x3;
	[dreg:$0xe] =	wrdreg s24;
	s24 =	simm.s32 $0x4  }
.LBB2_1:
0x18: {  	[dreg:$0x14] =	wrdreg s13  }
0x19: {  	s3 =	rddreg [dreg:$0x0];
	s8 =	simm.s32 $0x6  }
0x1a: {  	[tilespmem:s12], [sflag:$0x6] =	stream.linear.gather [hbm4b:s3+s12], $0x18700, $0x38;
	[tilespmem:$0x1F8E0] =	vst v63  }
0x1b: {  	_ =	swait.ge [sflag:s8], $0x18700  }
0x1c: {  	[sflag:s8] =	ssyncset.done $0x0  }
0x1d: {  	[sflag:s8] =	ssyncadd.s32 $0xFFFE7900;
	s8 =	rddreg [dreg:$0x11]  }
0x1e: {  	s3 =	simm.s32 @!p0 $0x1C06;
	s13 =	rddreg [dreg:$0x3]  }
0x1f: {  	[spmem:s8], [sflag:s3] =	dma.local @!p0 [hbm:s13], $0x30E0  }
0x20: {  	s8 =	simm.s32 @!p0 $0x6  }
0x21: {  	_ =	swait.ge @!p0 [sflag:s8], $0x30E0  }
0x22: {  	[sflag:s8] =	ssyncset.done @!p0 $0x0  }
0x23: {  	s21 =	rddreg [dreg:$0x12];
	[sflag:s8] =	ssyncadd.s32 @!p0 $0xFFFFCF20  }
0x24: {  	[spmem:s21], [sflag:s3] =	dma.local @!p0 [hbm:s13], $0x30E0  }
0x25: {  	_ =	swait.ge @!p0 [sflag:s8], $0x30E0  }
0x26: {  	[sflag:s8] =	ssyncset.done @!p0 $0x0  }
0x27: {  	[sflag:s8] =	ssyncadd.s32 @!p0 $0xFFFFCF20  }
0x28: {  	[bflag:$0x0] =	sbarrier.arrive $0xFFFF  }
0x29: {  	s13 =	rddreg [dreg:$0xb]  }
0x2a: {  	[tilespmem:s25], [sflag:$0x1] =	stream.linear.gather [hbm4b:s13+s12], $0x320, $0x38;
	[tilespmem:$0x1F8E0] =	vst v63  }
0x2b: {  	s21 =	simm.s32 $0x18A20;
	s19 =	rddreg [dreg:$0xc]  }
0x2c: {  	[tilespmem:s21], [sflag:$0x1] =	stream.linear.gather [hbm4b:s19+s12], $0x320, $0x38;
	[tilespmem:$0x1F8E0] =	vst v63  }
0x2d: {  	s22 =	rddreg [dreg:$0xd]  }
0x2e: {  	[tilespmem:s28], [sflag:$0x1] =	stream.linear.gather [hbm4b:s22+s12], $0x320, $0x38;
	[tilespmem:$0x1F8E0] =	vst v63  }
0x2f: {  	s26 =	rddreg [dreg:$0xe];
	s22 =	simm.s32 $0x0  }
0x30: {  	[tilespmem:s29], [sflag:$0x1] =	stream.linear.gather [hbm4b:s26+s12], $0x320, $0x38;
	[tilespmem:$0x1F8E0] =	vst v63  }
.LBB2_2:
0x31: {  	_ =	swait.ge [sflag:s30], $0x640;
	s8 =	smul.u32 $0x1900, s22  }
0x32: {  	[sflag:s30] =	ssyncset.done $0x0  }
0x33: {  	[sflag:s30] =	ssyncadd.s32 $0xFFFFF9C0;
	s3 =	sadd.s32 s18, s8  }
0x34: {  	_ =	swait.ge [sflag:s30], $0x640;
	s3 =	sshrl.u32 s3, $0x3  }
0x35: {  	s26 =	simm.s32 $0x0;
	[sflag:s30] =	ssyncset.done $0x0;
	s13 =	sadd.s32 $0xC8, s3  }
0x36: {  	s3 =	sadd.s32 $0x12C, s3;
	[sflag:s30] =	ssyncadd.s32 $0xFFFFF9C0;
	s21 =	sadd.s32 s1, s13  }
0x37: {  	[tilespmem:s31], [sflag:$0x1] =	stream.linear.gather [hbm4b:s21+s26], $0x320, $0x38;
	[tilespmem:$0x1F8E0] =	vst v63  }
0x38: {  	s19 =	simm.s32 $0x190A0;
	s21 =	sadd.s32 s1, s3  }
0x39: {  	[tilespmem:s19], [sflag:$0x1] =	stream.linear.gather [hbm4b:s21+s26], $0x320, $0x38;
	[tilespmem:$0x1F8E0] =	vst v63  }
0x3a: {  	s13 =	sadd.s32 s2, s13  }
0x3b: {  	[tilespmem:s0], [sflag:$0x1] =	stream.linear.gather [hbm4b:s13+s26], $0x320, $0x38;
	[tilespmem:$0x1F8E0] =	vst v63  }
0x3c: {  	s3 =	sadd.s32 s2, s3  }
0x3d: {  	[tilespmem:s4], [sflag:$0x1] =	stream.linear.gather [hbm4b:s3+s26], $0x320, $0x38;
	[tilespmem:$0x1F8E0] =	vst v63  }
0x3e: {  	s3 =	simm.s32 $0x0  }
0x3f: {  	v0 =	vld [tilespmem:s3+$0x18700]  }
0x40: {  	v1 =	vld [tilespmem:s3+$0x1A100];
	_ =	sdelay $0x6  }
0x41: {  	v0 =	vld.idx.msk [tilespmem:v0+s12+$0x0], $0xffff  }
0x42: {  	v1 =	vld.idx.msk [tilespmem:v1+s12+$0x0], $0xffff;
	_ =	sdelay $0x3  }
0x43: {  	v2 =	vld [tilespmem:s3+$0x18710]  }
0x44: {  	v3 =	vld [tilespmem:s3+$0x1A110];
	v0 =	vadd.f32 v1, v0;
	_ =	sdelay $0x1  }
0x45: {  	v0 =	vadd.f32 v0, v0;
	_ =	sdelay $0x1  }
0x46: {  	v1 =	vand.u32 $0x7FFFFFFF, v0;
	v0 =	vmul.f32 v0, v0  }
0x47: {  	[tilespmem:s3+$0x1AE00] =	vst v1  }
0x48: {  	[tilespmem:s3+$0x1BB00] =	vst v0  }
0x49: {  	v0 =	vld.idx.msk [tilespmem:v2+s12+$0x0], $0xffff  }
0x4a: {  	v1 =	vld.idx.msk [tilespmem:v3+s12+$0x0], $0xffff;
	_ =	sdelay $0x3  }
0x4b: {  	v2 =	vld [tilespmem:s3+$0x18720]  }
0x4c: {  	v3 =	vld [tilespmem:s3+$0x1A120];
	v0 =	vadd.f32 v1, v0;
	_ =	sdelay $0x1  }
0x4d: {  	v0 =	vadd.f32 v0, v0;
	_ =	sdelay $0x1  }
0x4e: {  	v1 =	vand.u32 $0x7FFFFFFF, v0;
	v0 =	vmul.f32 v0, v0  }
0x4f: {  	[tilespmem:s3+$0x1AE10] =	vst v1  }
0x50: {  	[tilespmem:s3+$0x1BB10] =	vst v0  }
0x51: {  	v0 =	vld.idx.msk [tilespmem:v2+s12+$0x0], $0xffff  }
0x52: {  	v1 =	vld.idx.msk [tilespmem:v3+s12+$0x0], $0xffff;
	_ =	sdelay $0x3  }
0x53: {  	v2 =	vld [tilespmem:s3+$0x18730]  }
0x54: {  	v3 =	vld [tilespmem:s3+$0x1A130];
	v0 =	vadd.f32 v1, v0;
	_ =	sdelay $0x1  }
0x55: {  	v0 =	vadd.f32 v0, v0;
	_ =	sdelay $0x1  }
0x56: {  	v1 =	vand.u32 $0x7FFFFFFF, v0;
	v0 =	vmul.f32 v0, v0  }
0x57: {  	[tilespmem:s3+$0x1AE20] =	vst v1  }
0x58: {  	[tilespmem:s3+$0x1BB20] =	vst v0  }
0x59: {  	v2 =	vld.idx.msk [tilespmem:v2+s12+$0x0], $0xffff  }
0x5a: {  	v3 =	vld.idx.msk [tilespmem:v3+s12+$0x0], $0xffff;
	_ =	sdelay $0x2  }
0x5b: {  	s13 =	simm.s32 $0x40  }
0x5c: {  	v0 =	vld [tilespmem:s13+$0x18700]  }
0x5d: {  	s21 =	simm.s32 $0x200;
	v1 =	vld [tilespmem:s13+$0x1A100];
	v2 =	vadd.f32 v3, v2  }
.LBB2_3:
0x5e: {  	_ = 	snop  }
0x5f: {  	p3 =	sne.s32 s21, $0x1800;
	s26 =	smov.u32 s21;
	s21 =	sadd.s32 $0x100, s21;
	v2 =	vadd.f32 v2, v2  }
0x60: {  	_ = 	snop  }
0x61: {  	v3 =	vand.u32 $0x7FFFFFFF, v2;
	v2 =	vmul.f32 v2, v2  }
0x62: {  	[tilespmem:s3+$0x1AE30] =	vst v3  }
0x63: {  	[tilespmem:s3+$0x1BB30] =	vst v2;
	s3 =	smov.u32 s13  }
0x64: {  	v0 =	vld.idx.msk [tilespmem:v0+s12+$0x0], $0xffff  }
0x65: {  	v1 =	vld.idx.msk [tilespmem:v1+s12+$0x0], $0xffff;
	_ =	sdelay $0x3  }
0x66: {  	v2 =	vld [tilespmem:s3+$0x1A110]  }
0x67: {  	v3 =	vld [tilespmem:s3+$0x18710]  }
0x68: {  	v0 =	vadd.f32 v1, v0;
	_ =	sdelay $0x1  }
0x69: {  	v0 =	vadd.f32 v0, v0;
	_ =	sdelay $0x1  }
0x6a: {  	v1 =	vand.u32 $0x7FFFFFFF, v0;
	v0 =	vmul.f32 v0, v0  }
0x6b: {  	[tilespmem:s3+$0x1AE00] =	vst v1  }
0x6c: {  	[tilespmem:s3+$0x1BB00] =	vst v0  }
0x6d: {  	v0 =	vld.idx.msk [tilespmem:v3+s12+$0x0], $0xffff  }
0x6e: {  	v1 =	vld.idx.msk [tilespmem:v2+s12+$0x0], $0xffff;
	_ =	sdelay $0x3  }
0x6f: {  	v2 =	vld [tilespmem:s3+$0x1A120]  }
0x70: {  	v3 =	vld [tilespmem:s3+$0x18720]  }
0x71: {  	v0 =	vadd.f32 v1, v0;
	_ =	sdelay $0x1  }
0x72: {  	v0 =	vadd.f32 v0, v0;
	_ =	sdelay $0x1  }
0x73: {  	v1 =	vand.u32 $0x7FFFFFFF, v0;
	v0 =	vmul.f32 v0, v0  }
0x74: {  	[tilespmem:s3+$0x1AE10] =	vst v1  }
0x75: {  	[tilespmem:s3+$0x1BB10] =	vst v0  }
0x76: {  	v0 =	vld.idx.msk [tilespmem:v3+s12+$0x0], $0xffff  }
0x77: {  	v1 =	vld.idx.msk [tilespmem:v2+s12+$0x0], $0xffff;
	_ =	sdelay $0x3  }
0x78: {  	v2 =	vld [tilespmem:s3+$0x1A130]  }
0x79: {  	v3 =	vld [tilespmem:s3+$0x18730]  }
0x7a: {  	v0 =	vadd.f32 v1, v0;
	_ =	sdelay $0x1  }
0x7b: {  	v0 =	vadd.f32 v0, v0;
	_ =	sdelay $0x1  }
0x7c: {  	v1 =	vand.u32 $0x7FFFFFFF, v0;
	v0 =	vmul.f32 v0, v0  }
0x7d: {  	[tilespmem:s3+$0x1AE20] =	vst v1  }
0x7e: {  	[tilespmem:s3+$0x1BB20] =	vst v0  }
0x7f: {  	v3 =	vld.idx.msk [tilespmem:v3+s12+$0x0], $0xffff  }
0x80: {  	v2 =	vld.idx.msk [tilespmem:v2+s12+$0x0], $0xffff;
	_ =	sdelay $0x1  }
.Ltmp0:
0x81: {  	(pc) =	sbr.rel @p3 .LBB2_3-.Ltmp0, $4  }
0x82: {  	_ = 	snop  }
0x83: {  	s13 =	sshra.s32 s26, $0x2  }
0x84: {  	v0 =	vld [tilespmem:s13+$0x18700]  }
0x85: {  	v2 =	vadd.f32 v2, v3;
	v1 =	vld [tilespmem:s13+$0x1A100]  }
0x86: {  	_ =	sdelay $0x1  }
0x87: {  	v2 =	vadd.f32 v2, v2;
	_ =	sdelay $0x1  }
0x88: {  	v3 =	vand.u32 $0x7FFFFFFF, v2;
	v2 =	vmul.f32 v2, v2  }
0x89: {  	[tilespmem:s3+$0x1AE30] =	vst v3  }
0x8a: {  	[tilespmem:s3+$0x1BB30] =	vst v2  }
0x8b: {  	v0 =	vld.idx.msk [tilespmem:v0+s12+$0x0], $0xffff  }
0x8c: {  	v1 =	vld.idx.msk [tilespmem:v1+s12+$0x0], $0xffff;
	_ =	sdelay $0x3  }
0x8d: {  	v2 =	vld [tilespmem:s13+$0x18710]  }
0x8e: {  	v3 =	vld [tilespmem:s13+$0x1A110];
	v0 =	vadd.f32 v1, v0;
	_ =	sdelay $0x1  }
0x8f: {  	v0 =	vadd.f32 v0, v0;
	_ =	sdelay $0x1  }
0x90: {  	v1 =	vand.u32 $0x7FFFFFFF, v0;
	v0 =	vmul.f32 v0, v0  }
0x91: {  	[tilespmem:s13+$0x1AE00] =	vst v1  }
0x92: {  	[tilespmem:s13+$0x1BB00] =	vst v0  }
0x93: {  	v0 =	vld.idx.msk [tilespmem:v2+s12+$0x0], $0xffff  }
0x94: {  	v1 =	vld.idx.msk [tilespmem:v3+s12+$0x0], $0xffff;
	_ =	sdelay $0x3  }
0x95: {  	v2 =	vld [tilespmem:s13+$0x18720]  }
0x96: {  	v3 =	vld [tilespmem:s13+$0x1A120];
	v0 =	vadd.f32 v1, v0;
	_ =	sdelay $0x1  }
0x97: {  	v0 =	vadd.f32 v0, v0;
	_ =	sdelay $0x1  }
0x98: {  	v1 =	vand.u32 $0x7FFFFFFF, v0;
	v0 =	vmul.f32 v0, v0  }
0x99: {  	[tilespmem:s13+$0x1AE10] =	vst v1  }
0x9a: {  	[tilespmem:s13+$0x1BB10] =	vst v0  }
0x9b: {  	v0 =	vld.idx.msk [tilespmem:v2+s12+$0x0], $0xffff  }
0x9c: {  	v1 =	vld.idx.msk [tilespmem:v3+s12+$0x0], $0xffff;
	_ =	sdelay $0x3  }
0x9d: {  	v2 =	vld [tilespmem:s13+$0x18730]  }
0x9e: {  	v3 =	vld [tilespmem:s13+$0x1A130];
	v0 =	vadd.f32 v1, v0;
	_ =	sdelay $0x1  }
0x9f: {  	v0 =	vadd.f32 v0, v0;
	_ =	sdelay $0x1  }
0xa0: {  	v1 =	vand.u32 $0x7FFFFFFF, v0;
	v0 =	vmul.f32 v0, v0  }
0xa1: {  	[tilespmem:s13+$0x1AE20] =	vst v1  }
0xa2: {  	[tilespmem:s13+$0x1BB20] =	vst v0  }
0xa3: {  	v0 =	vld.idx.msk [tilespmem:v2+s12+$0x0], $0xffff  }
0xa4: {  	v1 =	vld.idx.msk [tilespmem:v3+s12+$0x0], $0xffff;
	_ =	sdelay $0x4  }
0xa5: {  	v0 =	vadd.f32 v1, v0;
	_ =	sdelay $0x1  }
0xa6: {  	v0 =	vadd.f32 v0, v0;
	_ =	sdelay $0x1  }
0xa7: {  	v1 =	vand.u32 $0x7FFFFFFF, v0;
	v0 =	vmul.f32 v0, v0  }
0xa8: {  	p3 =	seq.s32 s22, $0x0;
	[tilespmem:s13+$0x1AE30] =	vst v1  }
0xa9: {  	s3 =	simm.s32 @!p3 $0x5;
	[tilespmem:s13+$0x1BB30] =	vst v0  }
0xaa: {  	_ =	swait.ge @!p3 [sflag:s3], $0x640  }
0xab: {  	[sflag:s3] =	ssyncset.done @!p3 $0x0  }
0xac: {  	[sflag:s3] =	ssyncadd.s32 @!p3 $0xFFFFF9C0  }
0xad: {  	_ =	swait.ge @!p3 [sflag:s3], $0x640  }
0xae: {  	[sflag:s3] =	ssyncset.done @!p3 $0x0  }
0xaf: {  	[sflag:s3] =	ssyncadd.s32 @!p3 $0xFFFFF9C0  }
0xb0: {  	[spmem:s9] =	stream.indirect.scatter.add.f32 [tilespmem:s6], [sflag:$0x2], $0x1, s25, s5, $0xb8;
	[tilespmem:$0x1F8E0] =	vst v63  }
0xb1: {  	_ = 	snop  }
0xb2: {  	[spmem:s10] =	stream.indirect.scatter.add.f32 [tilespmem:s7], [sflag:$0x2], $0x1, s25, s5, $0xb8;
	[tilespmem:$0x1F8E0] =	vst v63  }
0xb3: {  	_ =	swait.ge [sflag:s30], $0x640  }
0xb4: {  	[sflag:s30] =	ssyncset.done $0x0;
	s26 =	rddreg [dreg:$0xf]  }
0xb5: {  	[sflag:s30] =	ssyncadd.s32 $0xFFFFF9C0;
	s3 =	sadd.s32 s8, s26  }
0xb6: {  	_ =	swait.ge [sflag:s30], $0x640;
	s3 =	sshrl.u32 s3, $0x3  }
0xb7: {  	s26 =	simm.s32 $0x0;
	[sflag:s30] =	ssyncset.done $0x0;
	s13 =	sadd.s32 $0xC8, s3  }
0xb8: {  	s3 =	sadd.s32 $0x12C, s3;
	[sflag:s30] =	ssyncadd.s32 $0xFFFFF9C0;
	s21 =	sadd.s32 s1, s13  }
0xb9: {  	[tilespmem:s11], [sflag:$0x1] =	stream.linear.gather [hbm4b:s21+s26], $0x320, $0x38;
	[tilespmem:$0x1F8E0] =	vst v63  }
0xba: {  	s19 =	simm.s32 $0x19720;
	s21 =	sadd.s32 s1, s3  }
0xbb: {  	[tilespmem:s19], [sflag:$0x1] =	stream.linear.gather [hbm4b:s21+s26], $0x320, $0x38;
	[tilespmem:$0x1F8E0] =	vst v63  }
0xbc: {  	s13 =	sadd.s32 s2, s13  }
0xbd: {  	[tilespmem:s28], [sflag:$0x1] =	stream.linear.gather [hbm4b:s13+s26], $0x320, $0x38;
	[tilespmem:$0x1F8E0] =	vst v63  }
0xbe: {  	s3 =	sadd.s32 s2, s3  }
0xbf: {  	[tilespmem:s29], [sflag:$0x1] =	stream.linear.gather [hbm4b:s3+s26], $0x320, $0x38;
	[tilespmem:$0x1F8E0] =	vst v63  }
0xc0: {  	s3 =	simm.s32 $0x0  }
0xc1: {  	v0 =	vld [tilespmem:s3+$0x18D80]  }
0xc2: {  	v1 =	vld [tilespmem:s3+$0x1A780];
	_ =	sdelay $0x6  }
0xc3: {  	v0 =	vld.idx.msk [tilespmem:v0+s12+$0x0], $0xffff  }
0xc4: {  	v1 =	vld.idx.msk [tilespmem:v1+s12+$0x0], $0xffff;
	_ =	sdelay $0x3  }
0xc5: {  	v2 =	vld [tilespmem:s3+$0x18D90]  }
0xc6: {  	v3 =	vld [tilespmem:s3+$0x1A790];
	v0 =	vadd.f32 v1, v0;
	_ =	sdelay $0x1  }
0xc7: {  	v0 =	vadd.f32 v0, v0;
	_ =	sdelay $0x1  }
0xc8: {  	v1 =	vand.u32 $0x7FFFFFFF, v0;
	v0 =	vmul.f32 v0, v0  }
0xc9: {  	[tilespmem:s3+$0x1B480] =	vst v1  }
0xca: {  	[tilespmem:s3+$0x1C180] =	vst v0  }
0xcb: {  	v0 =	vld.idx.msk [tilespmem:v2+s12+$0x0], $0xffff  }
0xcc: {  	v1 =	vld.idx.msk [tilespmem:v3+s12+$0x0], $0xffff;
	_ =	sdelay $0x3  }
0xcd: {  	v2 =	vld [tilespmem:s3+$0x18DA0]  }
0xce: {  	v3 =	vld [tilespmem:s3+$0x1A7A0];
	v0 =	vadd.f32 v1, v0;
	_ =	sdelay $0x1  }
0xcf: {  	v0 =	vadd.f32 v0, v0;
	_ =	sdelay $0x1  }
0xd0: {  	v1 =	vand.u32 $0x7FFFFFFF, v0;
	v0 =	vmul.f32 v0, v0  }
0xd1: {  	[tilespmem:s3+$0x1B490] =	vst v1  }
0xd2: {  	[tilespmem:s3+$0x1C190] =	vst v0  }
0xd3: {  	v0 =	vld.idx.msk [tilespmem:v2+s12+$0x0], $0xffff  }
0xd4: {  	v1 =	vld.idx.msk [tilespmem:v3+s12+$0x0], $0xffff;
	_ =	sdelay $0x3  }
0xd5: {  	v2 =	vld [tilespmem:s3+$0x18DB0]  }
0xd6: {  	v3 =	vld [tilespmem:s3+$0x1A7B0];
	v0 =	vadd.f32 v1, v0;
	_ =	sdelay $0x1  }
0xd7: {  	v0 =	vadd.f32 v0, v0;
	_ =	sdelay $0x1  }
0xd8: {  	v1 =	vand.u32 $0x7FFFFFFF, v0;
	v0 =	vmul.f32 v0, v0  }
0xd9: {  	[tilespmem:s3+$0x1B4A0] =	vst v1  }
0xda: {  	[tilespmem:s3+$0x1C1A0] =	vst v0  }
0xdb: {  	v2 =	vld.idx.msk [tilespmem:v2+s12+$0x0], $0xffff  }
0xdc: {  	v3 =	vld.idx.msk [tilespmem:v3+s12+$0x0], $0xffff;
	_ =	sdelay $0x2  }
0xdd: {  	s13 =	simm.s32 $0x40  }
0xde: {  	v0 =	vld [tilespmem:s13+$0x18D80]  }
0xdf: {  	s21 =	simm.s32 $0x200;
	v1 =	vld [tilespmem:s13+$0x1A780];
	v2 =	vadd.f32 v3, v2  }
.LBB2_5:
0xe0: {  	_ = 	snop  }
0xe1: {  	p3 =	sne.s32 s21, $0x1800;
	s26 =	smov.u32 s21;
	s21 =	sadd.s32 $0x100, s21;
	v2 =	vadd.f32 v2, v2  }
0xe2: {  	_ = 	snop  }
0xe3: {  	v3 =	vand.u32 $0x7FFFFFFF, v2;
	v2 =	vmul.f32 v2, v2  }
0xe4: {  	[tilespmem:s3+$0x1B4B0] =	vst v3  }
0xe5: {  	[tilespmem:s3+$0x1C1B0] =	vst v2;
	s3 =	smov.u32 s13  }
0xe6: {  	v0 =	vld.idx.msk [tilespmem:v0+s12+$0x0], $0xffff  }
0xe7: {  	v1 =	vld.idx.msk [tilespmem:v1+s12+$0x0], $0xffff;
	_ =	sdelay $0x3  }
0xe8: {  	v2 =	vld [tilespmem:s3+$0x1A790]  }
0xe9: {  	v3 =	vld [tilespmem:s3+$0x18D90]  }
0xea: {  	v0 =	vadd.f32 v1, v0;
	_ =	sdelay $0x1  }
0xeb: {  	v0 =	vadd.f32 v0, v0;
	_ =	sdelay $0x1  }
0xec: {  	v1 =	vand.u32 $0x7FFFFFFF, v0;
	v0 =	vmul.f32 v0, v0  }
0xed: {  	[tilespmem:s3+$0x1B480] =	vst v1  }
0xee: {  	[tilespmem:s3+$0x1C180] =	vst v0  }
0xef: {  	v0 =	vld.idx.msk [tilespmem:v3+s12+$0x0], $0xffff  }
0xf0: {  	v1 =	vld.idx.msk [tilespmem:v2+s12+$0x0], $0xffff;
	_ =	sdelay $0x3  }
0xf1: {  	v2 =	vld [tilespmem:s3+$0x1A7A0]  }
0xf2: {  	v3 =	vld [tilespmem:s3+$0x18DA0]  }
0xf3: {  	v0 =	vadd.f32 v1, v0;
	_ =	sdelay $0x1  }
0xf4: {  	v0 =	vadd.f32 v0, v0;
	_ =	sdelay $0x1  }
0xf5: {  	v1 =	vand.u32 $0x7FFFFFFF, v0;
	v0 =	vmul.f32 v0, v0  }
0xf6: {  	[tilespmem:s3+$0x1B490] =	vst v1  }
0xf7: {  	[tilespmem:s3+$0x1C190] =	vst v0  }
0xf8: {  	v0 =	vld.idx.msk [tilespmem:v3+s12+$0x0], $0xffff  }
0xf9: {  	v1 =	vld.idx.msk [tilespmem:v2+s12+$0x0], $0xffff;
	_ =	sdelay $0x3  }
0xfa: {  	v2 =	vld [tilespmem:s3+$0x1A7B0]  }
0xfb: {  	v3 =	vld [tilespmem:s3+$0x18DB0]  }
0xfc: {  	v0 =	vadd.f32 v1, v0;
	_ =	sdelay $0x1  }
0xfd: {  	v0 =	vadd.f32 v0, v0;
	_ =	sdelay $0x1  }
0xfe: {  	v1 =	vand.u32 $0x7FFFFFFF, v0;
	v0 =	vmul.f32 v0, v0  }
0xff: {  	[tilespmem:s3+$0x1B4A0] =	vst v1  }
0x100: {  	[tilespmem:s3+$0x1C1A0] =	vst v0  }
0x101: {  	v3 =	vld.idx.msk [tilespmem:v3+s12+$0x0], $0xffff  }
0x102: {  	v2 =	vld.idx.msk [tilespmem:v2+s12+$0x0], $0xffff;
	_ =	sdelay $0x1  }
.Ltmp1:
0x103: {  	(pc) =	sbr.rel @p3 .LBB2_5-.Ltmp1, $4  }
0x104: {  	_ = 	snop  }
0x105: {  	s13 =	sshra.s32 s26, $0x2  }
0x106: {  	v0 =	vld [tilespmem:s13+$0x18D80]  }
0x107: {  	v2 =	vadd.f32 v2, v3;
	v1 =	vld [tilespmem:s13+$0x1A780]  }
0x108: {  	_ =	sdelay $0x1  }
0x109: {  	v2 =	vadd.f32 v2, v2;
	_ =	sdelay $0x1  }
0x10a: {  	v3 =	vand.u32 $0x7FFFFFFF, v2;
	v2 =	vmul.f32 v2, v2  }
0x10b: {  	[tilespmem:s3+$0x1B4B0] =	vst v3  }
0x10c: {  	[tilespmem:s3+$0x1C1B0] =	vst v2  }
0x10d: {  	v0 =	vld.idx.msk [tilespmem:v0+s12+$0x0], $0xffff  }
0x10e: {  	v1 =	vld.idx.msk [tilespmem:v1+s12+$0x0], $0xffff;
	_ =	sdelay $0x3  }
0x10f: {  	v2 =	vld [tilespmem:s13+$0x18D90]  }
0x110: {  	v3 =	vld [tilespmem:s13+$0x1A790];
	v0 =	vadd.f32 v1, v0;
	_ =	sdelay $0x1  }
0x111: {  	v0 =	vadd.f32 v0, v0;
	_ =	sdelay $0x1  }
0x112: {  	v1 =	vand.u32 $0x7FFFFFFF, v0;
	v0 =	vmul.f32 v0, v0  }
0x113: {  	[tilespmem:s13+$0x1B480] =	vst v1  }
0x114: {  	[tilespmem:s13+$0x1C180] =	vst v0  }
0x115: {  	v0 =	vld.idx.msk [tilespmem:v2+s12+$0x0], $0xffff  }
0x116: {  	v1 =	vld.idx.msk [tilespmem:v3+s12+$0x0], $0xffff;
	_ =	sdelay $0x3  }
0x117: {  	v2 =	vld [tilespmem:s13+$0x18DA0]  }
0x118: {  	v3 =	vld [tilespmem:s13+$0x1A7A0];
	v0 =	vadd.f32 v1, v0;
	_ =	sdelay $0x1  }
0x119: {  	v0 =	vadd.f32 v0, v0;
	_ =	sdelay $0x1  }
0x11a: {  	v1 =	vand.u32 $0x7FFFFFFF, v0;
	v0 =	vmul.f32 v0, v0  }
0x11b: {  	[tilespmem:s13+$0x1B490] =	vst v1  }
0x11c: {  	[tilespmem:s13+$0x1C190] =	vst v0  }
0x11d: {  	v0 =	vld.idx.msk [tilespmem:v2+s12+$0x0], $0xffff  }
0x11e: {  	v1 =	vld.idx.msk [tilespmem:v3+s12+$0x0], $0xffff;
	_ =	sdelay $0x3  }
0x11f: {  	v2 =	vld [tilespmem:s13+$0x18DB0]  }
0x120: {  	v3 =	vld [tilespmem:s13+$0x1A7B0];
	v0 =	vadd.f32 v1, v0;
	_ =	sdelay $0x1  }
0x121: {  	v0 =	vadd.f32 v0, v0;
	_ =	sdelay $0x1  }
0x122: {  	v1 =	vand.u32 $0x7FFFFFFF, v0;
	v0 =	vmul.f32 v0, v0  }
0x123: {  	[tilespmem:s13+$0x1B4A0] =	vst v1  }
0x124: {  	[tilespmem:s13+$0x1C1A0] =	vst v0  }
0x125: {  	v0 =	vld.idx.msk [tilespmem:v2+s12+$0x0], $0xffff  }
0x126: {  	v1 =	vld.idx.msk [tilespmem:v3+s12+$0x0], $0xffff;
	_ =	sdelay $0x4  }
0x127: {  	v0 =	vadd.f32 v1, v0;
	_ =	sdelay $0x1  }
0x128: {  	v0 =	vadd.f32 v0, v0;
	_ =	sdelay $0x1  }
0x129: {  	v1 =	vand.u32 $0x7FFFFFFF, v0;
	v0 =	vmul.f32 v0, v0  }
0x12a: {  	[tilespmem:s13+$0x1B4B0] =	vst v1  }
0x12b: {  	[tilespmem:s13+$0x1C1B0] =	vst v0  }
0x12c: {  	_ =	swait.ge [sflag:s14], $0x640  }
0x12d: {  	[sflag:s14] =	ssyncset.done $0x0  }
0x12e: {  	[sflag:s14] =	ssyncadd.s32 $0xFFFFF9C0  }
0x12f: {  	_ =	swait.ge [sflag:s14], $0x640  }
0x130: {  	[sflag:s14] =	ssyncset.done $0x0  }
0x131: {  	[sflag:s14] =	ssyncadd.s32 $0xFFFFF9C0  }
0x132: {  	[spmem:s9] =	stream.indirect.scatter.add.f32 [tilespmem:s15], [sflag:$0x3], $0x1, s31, s5, $0xb8;
	[tilespmem:$0x1F8E0] =	vst v63  }
0x133: {  	_ = 	snop  }
0x134: {  	[spmem:s10] =	stream.indirect.scatter.add.f32 [tilespmem:s16], [sflag:$0x3], $0x1, s31, s5, $0xb8;
	[tilespmem:$0x1F8E0] =	vst v63  }
0x135: {  	_ =	swait.ge [sflag:s30], $0x640  }
0x136: {  	[sflag:s30] =	ssyncset.done $0x0;
	s26 =	rddreg [dreg:$0x13]  }
0x137: {  	[sflag:s30] =	ssyncadd.s32 $0xFFFFF9C0;
	s3 =	sadd.s32 s8, s26  }
0x138: {  	_ =	swait.ge [sflag:s30], $0x640;
	s3 =	sshrl.u32 s3, $0x3  }
0x139: {  	s26 =	simm.s32 $0x0;
	[sflag:s30] =	ssyncset.done $0x0;
	s13 =	sadd.s32 $0xC8, s3  }
0x13a: {  	s3 =	sadd.s32 $0x12C, s3;
	[sflag:s30] =	ssyncadd.s32 $0xFFFFF9C0;
	s21 =	sadd.s32 s1, s13  }
0x13b: {  	[tilespmem:s17], [sflag:$0x1] =	stream.linear.gather [hbm4b:s21+s26], $0x320, $0x38;
	[tilespmem:$0x1F8E0] =	vst v63  }
0x13c: {  	s19 =	simm.s32 $0x19DA0;
	s21 =	sadd.s32 s1, s3  }
0x13d: {  	[tilespmem:s19], [sflag:$0x1] =	stream.linear.gather [hbm4b:s21+s26], $0x320, $0x38;
	[tilespmem:$0x1F8E0] =	vst v63  }
0x13e: {  	s13 =	sadd.s32 s2, s13  }
0x13f: {  	[tilespmem:s0], [sflag:$0x1] =	stream.linear.gather [hbm4b:s13+s26], $0x320, $0x38;
	[tilespmem:$0x1F8E0] =	vst v63  }
0x140: {  	s3 =	sadd.s32 s2, s3  }
0x141: {  	[tilespmem:s4], [sflag:$0x1] =	stream.linear.gather [hbm4b:s3+s26], $0x320, $0x38;
	[tilespmem:$0x1F8E0] =	vst v63  }
0x142: {  	s3 =	simm.s32 $0x0  }
0x143: {  	v0 =	vld [tilespmem:s3+$0x19400]  }
0x144: {  	v1 =	vld [tilespmem:s3+$0x1A100];
	_ =	sdelay $0x6  }
0x145: {  	v0 =	vld.idx.msk [tilespmem:v0+s12+$0x0], $0xffff  }
0x146: {  	v1 =	vld.idx.msk [tilespmem:v1+s12+$0x0], $0xffff;
	_ =	sdelay $0x3  }
0x147: {  	v2 =	vld [tilespmem:s3+$0x19410]  }
0x148: {  	v3 =	vld [tilespmem:s3+$0x1A110];
	v0 =	vadd.f32 v1, v0;
	_ =	sdelay $0x1  }
0x149: {  	v0 =	vadd.f32 v0, v0;
	_ =	sdelay $0x1  }
0x14a: {  	v1 =	vand.u32 $0x7FFFFFFF, v0;
	v0 =	vmul.f32 v0, v0  }
0x14b: {  	[tilespmem:s3+$0x1AE00] =	vst v1  }
0x14c: {  	[tilespmem:s3+$0x1BB00] =	vst v0  }
0x14d: {  	v0 =	vld.idx.msk [tilespmem:v2+s12+$0x0], $0xffff  }
0x14e: {  	v1 =	vld.idx.msk [tilespmem:v3+s12+$0x0], $0xffff;
	_ =	sdelay $0x3  }
0x14f: {  	v2 =	vld [tilespmem:s3+$0x19420]  }
0x150: {  	v3 =	vld [tilespmem:s3+$0x1A120];
	v0 =	vadd.f32 v1, v0;
	_ =	sdelay $0x1  }
0x151: {  	v0 =	vadd.f32 v0, v0;
	_ =	sdelay $0x1  }
0x152: {  	v1 =	vand.u32 $0x7FFFFFFF, v0;
	v0 =	vmul.f32 v0, v0  }
0x153: {  	[tilespmem:s3+$0x1AE10] =	vst v1  }
0x154: {  	[tilespmem:s3+$0x1BB10] =	vst v0  }
0x155: {  	v0 =	vld.idx.msk [tilespmem:v2+s12+$0x0], $0xffff  }
0x156: {  	v1 =	vld.idx.msk [tilespmem:v3+s12+$0x0], $0xffff;
	_ =	sdelay $0x3  }
0x157: {  	v2 =	vld [tilespmem:s3+$0x19430]  }
0x158: {  	v3 =	vld [tilespmem:s3+$0x1A130];
	v0 =	vadd.f32 v1, v0;
	_ =	sdelay $0x1  }
0x159: {  	v0 =	vadd.f32 v0, v0;
	_ =	sdelay $0x1  }
0x15a: {  	v1 =	vand.u32 $0x7FFFFFFF, v0;
	v0 =	vmul.f32 v0, v0  }
0x15b: {  	[tilespmem:s3+$0x1AE20] =	vst v1  }
0x15c: {  	[tilespmem:s3+$0x1BB20] =	vst v0  }
0x15d: {  	v2 =	vld.idx.msk [tilespmem:v2+s12+$0x0], $0xffff  }
0x15e: {  	v3 =	vld.idx.msk [tilespmem:v3+s12+$0x0], $0xffff;
	_ =	sdelay $0x2  }
0x15f: {  	s13 =	simm.s32 $0x40  }
0x160: {  	v0 =	vld [tilespmem:s13+$0x19400]  }
0x161: {  	s21 =	simm.s32 $0x200;
	v1 =	vld [tilespmem:s13+$0x1A100];
	v2 =	vadd.f32 v3, v2  }
.LBB2_7:
0x162: {  	_ = 	snop  }
0x163: {  	p3 =	sne.s32 s21, $0x1800;
	s26 =	smov.u32 s21;
	s21 =	sadd.s32 $0x100, s21;
	v2 =	vadd.f32 v2, v2  }
0x164: {  	_ = 	snop  }
0x165: {  	v3 =	vand.u32 $0x7FFFFFFF, v2;
	v2 =	vmul.f32 v2, v2  }
0x166: {  	[tilespmem:s3+$0x1AE30] =	vst v3  }
0x167: {  	[tilespmem:s3+$0x1BB30] =	vst v2;
	s3 =	smov.u32 s13  }
0x168: {  	v0 =	vld.idx.msk [tilespmem:v0+s12+$0x0], $0xffff  }
0x169: {  	v1 =	vld.idx.msk [tilespmem:v1+s12+$0x0], $0xffff;
	_ =	sdelay $0x3  }
0x16a: {  	v2 =	vld [tilespmem:s3+$0x1A110]  }
0x16b: {  	v3 =	vld [tilespmem:s3+$0x19410]  }
0x16c: {  	v0 =	vadd.f32 v1, v0;
	_ =	sdelay $0x1  }
0x16d: {  	v0 =	vadd.f32 v0, v0;
	_ =	sdelay $0x1  }
0x16e: {  	v1 =	vand.u32 $0x7FFFFFFF, v0;
	v0 =	vmul.f32 v0, v0  }
0x16f: {  	[tilespmem:s3+$0x1AE00] =	vst v1  }
0x170: {  	[tilespmem:s3+$0x1BB00] =	vst v0  }
0x171: {  	v0 =	vld.idx.msk [tilespmem:v3+s12+$0x0], $0xffff  }
0x172: {  	v1 =	vld.idx.msk [tilespmem:v2+s12+$0x0], $0xffff;
	_ =	sdelay $0x3  }
0x173: {  	v2 =	vld [tilespmem:s3+$0x1A120]  }
0x174: {  	v3 =	vld [tilespmem:s3+$0x19420]  }
0x175: {  	v0 =	vadd.f32 v1, v0;
	_ =	sdelay $0x1  }
0x176: {  	v0 =	vadd.f32 v0, v0;
	_ =	sdelay $0x1  }
0x177: {  	v1 =	vand.u32 $0x7FFFFFFF, v0;
	v0 =	vmul.f32 v0, v0  }
0x178: {  	[tilespmem:s3+$0x1AE10] =	vst v1  }
0x179: {  	[tilespmem:s3+$0x1BB10] =	vst v0  }
0x17a: {  	v0 =	vld.idx.msk [tilespmem:v3+s12+$0x0], $0xffff  }
0x17b: {  	v1 =	vld.idx.msk [tilespmem:v2+s12+$0x0], $0xffff;
	_ =	sdelay $0x3  }
0x17c: {  	v2 =	vld [tilespmem:s3+$0x1A130]  }
0x17d: {  	v3 =	vld [tilespmem:s3+$0x19430]  }
0x17e: {  	v0 =	vadd.f32 v1, v0;
	_ =	sdelay $0x1  }
0x17f: {  	v0 =	vadd.f32 v0, v0;
	_ =	sdelay $0x1  }
0x180: {  	v1 =	vand.u32 $0x7FFFFFFF, v0;
	v0 =	vmul.f32 v0, v0  }
0x181: {  	[tilespmem:s3+$0x1AE20] =	vst v1  }
0x182: {  	[tilespmem:s3+$0x1BB20] =	vst v0  }
0x183: {  	v3 =	vld.idx.msk [tilespmem:v3+s12+$0x0], $0xffff  }
0x184: {  	v2 =	vld.idx.msk [tilespmem:v2+s12+$0x0], $0xffff;
	_ =	sdelay $0x1  }
.Ltmp2:
0x185: {  	(pc) =	sbr.rel @p3 .LBB2_7-.Ltmp2, $4  }
0x186: {  	_ = 	snop  }
0x187: {  	s13 =	sshra.s32 s26, $0x2  }
0x188: {  	v0 =	vld [tilespmem:s13+$0x19400]  }
0x189: {  	v2 =	vadd.f32 v2, v3;
	v1 =	vld [tilespmem:s13+$0x1A100]  }
0x18a: {  	_ =	sdelay $0x1  }
0x18b: {  	v2 =	vadd.f32 v2, v2;
	_ =	sdelay $0x1  }
0x18c: {  	v3 =	vand.u32 $0x7FFFFFFF, v2;
	v2 =	vmul.f32 v2, v2  }
0x18d: {  	[tilespmem:s3+$0x1AE30] =	vst v3  }
0x18e: {  	[tilespmem:s3+$0x1BB30] =	vst v2  }
0x18f: {  	v0 =	vld.idx.msk [tilespmem:v0+s12+$0x0], $0xffff  }
0x190: {  	v1 =	vld.idx.msk [tilespmem:v1+s12+$0x0], $0xffff;
	_ =	sdelay $0x3  }
0x191: {  	v2 =	vld [tilespmem:s13+$0x19410]  }
0x192: {  	v3 =	vld [tilespmem:s13+$0x1A110];
	v0 =	vadd.f32 v1, v0;
	_ =	sdelay $0x1  }
0x193: {  	v0 =	vadd.f32 v0, v0;
	_ =	sdelay $0x1  }
0x194: {  	v1 =	vand.u32 $0x7FFFFFFF, v0;
	v0 =	vmul.f32 v0, v0  }
0x195: {  	[tilespmem:s13+$0x1AE00] =	vst v1  }
0x196: {  	[tilespmem:s13+$0x1BB00] =	vst v0  }
0x197: {  	v0 =	vld.idx.msk [tilespmem:v2+s12+$0x0], $0xffff  }
0x198: {  	v1 =	vld.idx.msk [tilespmem:v3+s12+$0x0], $0xffff;
	_ =	sdelay $0x3  }
0x199: {  	v2 =	vld [tilespmem:s13+$0x19420]  }
0x19a: {  	v3 =	vld [tilespmem:s13+$0x1A120];
	v0 =	vadd.f32 v1, v0;
	_ =	sdelay $0x1  }
0x19b: {  	v0 =	vadd.f32 v0, v0;
	_ =	sdelay $0x1  }
0x19c: {  	v1 =	vand.u32 $0x7FFFFFFF, v0;
	v0 =	vmul.f32 v0, v0  }
0x19d: {  	[tilespmem:s13+$0x1AE10] =	vst v1  }
0x19e: {  	[tilespmem:s13+$0x1BB10] =	vst v0  }
0x19f: {  	v0 =	vld.idx.msk [tilespmem:v2+s12+$0x0], $0xffff  }
0x1a0: {  	v1 =	vld.idx.msk [tilespmem:v3+s12+$0x0], $0xffff;
	_ =	sdelay $0x3  }
0x1a1: {  	v2 =	vld [tilespmem:s13+$0x19430]  }
0x1a2: {  	v3 =	vld [tilespmem:s13+$0x1A130];
	v0 =	vadd.f32 v1, v0;
	_ =	sdelay $0x1  }
0x1a3: {  	v0 =	vadd.f32 v0, v0;
	_ =	sdelay $0x1  }
0x1a4: {  	v1 =	vand.u32 $0x7FFFFFFF, v0;
	v0 =	vmul.f32 v0, v0  }
0x1a5: {  	[tilespmem:s13+$0x1AE20] =	vst v1  }
0x1a6: {  	[tilespmem:s13+$0x1BB20] =	vst v0  }
0x1a7: {  	v0 =	vld.idx.msk [tilespmem:v2+s12+$0x0], $0xffff  }
0x1a8: {  	v1 =	vld.idx.msk [tilespmem:v3+s12+$0x0], $0xffff;
	_ =	sdelay $0x4  }
0x1a9: {  	v0 =	vadd.f32 v1, v0;
	_ =	sdelay $0x1  }
0x1aa: {  	v0 =	vadd.f32 v0, v0;
	_ =	sdelay $0x1  }
0x1ab: {  	v1 =	vand.u32 $0x7FFFFFFF, v0;
	v0 =	vmul.f32 v0, v0  }
0x1ac: {  	[tilespmem:s13+$0x1AE30] =	vst v1  }
0x1ad: {  	[tilespmem:s13+$0x1BB30] =	vst v0  }
0x1ae: {  	_ =	swait.ge [sflag:s23], $0x640  }
0x1af: {  	[sflag:s23] =	ssyncset.done $0x0  }
0x1b0: {  	[sflag:s23] =	ssyncadd.s32 $0xFFFFF9C0  }
0x1b1: {  	_ =	swait.ge [sflag:s23], $0x640  }
0x1b2: {  	[sflag:s23] =	ssyncset.done $0x0  }
0x1b3: {  	[sflag:s23] =	ssyncadd.s32 $0xFFFFF9C0  }
0x1b4: {  	[spmem:s9] =	stream.indirect.scatter.add.f32 [tilespmem:s6], [sflag:$0x4], $0x1, s11, s5, $0xb8;
	[tilespmem:$0x1F8E0] =	vst v63  }
0x1b5: {  	_ = 	snop  }
0x1b6: {  	[spmem:s10] =	stream.indirect.scatter.add.f32 [tilespmem:s7], [sflag:$0x4], $0x1, s11, s5, $0xb8;
	[tilespmem:$0x1F8E0] =	vst v63  }
0x1b7: {  	_ =	swait.ge [sflag:s30], $0x640  }
0x1b8: {  	[sflag:s30] =	ssyncset.done $0x0  }
0x1b9: {  	s21 =	sadd.s32 s8, s20;
	[sflag:s30] =	ssyncadd.s32 $0xFFFFF9C0  }
0x1ba: {  	s3 =	sshrl.u32 s21, $0x3;
	_ =	swait.ge [sflag:s30], $0x640  }
0x1bb: {  	s21 =	simm.s32 $0x0;
	s8 =	sadd.s32 $0xC8, s3;
	[sflag:s30] =	ssyncset.done $0x0  }
0x1bc: {  	s3 =	sadd.s32 $0x12C, s3;
	s26 =	sadd.s32 s1, s8;
	[sflag:s30] =	ssyncadd.s32 $0xFFFFF9C0  }
0x1bd: {  	[tilespmem:s25], [sflag:$0x1] =	stream.linear.gather [hbm4b:s26+s21], $0x320, $0x38;
	[tilespmem:$0x1F8E0] =	vst v63  }
0x1be: {  	s19 =	sadd.s32 s1, s3;
	s26 =	simm.s32 $0x18A20  }
0x1bf: {  	[tilespmem:s26], [sflag:$0x1] =	stream.linear.gather [hbm4b:s19+s21], $0x320, $0x38;
	[tilespmem:$0x1F8E0] =	vst v63  }
0x1c0: {  	s8 =	sadd.s32 s2, s8  }
0x1c1: {  	[tilespmem:s28], [sflag:$0x1] =	stream.linear.gather [hbm4b:s8+s21], $0x320, $0x38;
	[tilespmem:$0x1F8E0] =	vst v63  }
0x1c2: {  	s3 =	sadd.s32 s2, s3  }
0x1c3: {  	[tilespmem:s29], [sflag:$0x1] =	stream.linear.gather [hbm4b:s3+s21], $0x320, $0x38;
	[tilespmem:$0x1F8E0] =	vst v63  }
0x1c4: {  	s3 =	simm.s32 $0x0  }
0x1c5: {  	v0 =	vld [tilespmem:s3+$0x19A80]  }
0x1c6: {  	v1 =	vld [tilespmem:s3+$0x1A780];
	_ =	sdelay $0x6  }
0x1c7: {  	v0 =	vld.idx.msk [tilespmem:v0+s12+$0x0], $0xffff  }
0x1c8: {  	v1 =	vld.idx.msk [tilespmem:v1+s12+$0x0], $0xffff;
	_ =	sdelay $0x3  }
0x1c9: {  	v2 =	vld [tilespmem:s3+$0x19A90]  }
0x1ca: {  	v3 =	vld [tilespmem:s3+$0x1A790];
	v0 =	vadd.f32 v1, v0;
	_ =	sdelay $0x1  }
0x1cb: {  	v0 =	vadd.f32 v0, v0;
	_ =	sdelay $0x1  }
0x1cc: {  	v1 =	vand.u32 $0x7FFFFFFF, v0;
	v0 =	vmul.f32 v0, v0  }
0x1cd: {  	[tilespmem:s3+$0x1B480] =	vst v1  }
0x1ce: {  	[tilespmem:s3+$0x1C180] =	vst v0  }
0x1cf: {  	v0 =	vld.idx.msk [tilespmem:v2+s12+$0x0], $0xffff  }
0x1d0: {  	v1 =	vld.idx.msk [tilespmem:v3+s12+$0x0], $0xffff;
	_ =	sdelay $0x3  }
0x1d1: {  	v2 =	vld [tilespmem:s3+$0x19AA0]  }
0x1d2: {  	v3 =	vld [tilespmem:s3+$0x1A7A0];
	v0 =	vadd.f32 v1, v0;
	_ =	sdelay $0x1  }
0x1d3: {  	v0 =	vadd.f32 v0, v0;
	_ =	sdelay $0x1  }
0x1d4: {  	v1 =	vand.u32 $0x7FFFFFFF, v0;
	v0 =	vmul.f32 v0, v0  }
0x1d5: {  	[tilespmem:s3+$0x1B490] =	vst v1  }
0x1d6: {  	[tilespmem:s3+$0x1C190] =	vst v0  }
0x1d7: {  	v0 =	vld.idx.msk [tilespmem:v2+s12+$0x0], $0xffff  }
0x1d8: {  	v1 =	vld.idx.msk [tilespmem:v3+s12+$0x0], $0xffff;
	_ =	sdelay $0x3  }
0x1d9: {  	v2 =	vld [tilespmem:s3+$0x19AB0]  }
0x1da: {  	v3 =	vld [tilespmem:s3+$0x1A7B0];
	v0 =	vadd.f32 v1, v0;
	_ =	sdelay $0x1  }
0x1db: {  	v0 =	vadd.f32 v0, v0;
	_ =	sdelay $0x1  }
0x1dc: {  	v1 =	vand.u32 $0x7FFFFFFF, v0;
	v0 =	vmul.f32 v0, v0  }
0x1dd: {  	[tilespmem:s3+$0x1B4A0] =	vst v1  }
0x1de: {  	[tilespmem:s3+$0x1C1A0] =	vst v0  }
0x1df: {  	v2 =	vld.idx.msk [tilespmem:v2+s12+$0x0], $0xffff  }
0x1e0: {  	v3 =	vld.idx.msk [tilespmem:v3+s12+$0x0], $0xffff;
	_ =	sdelay $0x2  }
0x1e1: {  	s13 =	simm.s32 $0x40  }
0x1e2: {  	v0 =	vld [tilespmem:s13+$0x19A80]  }
0x1e3: {  	s8 =	simm.s32 $0x200;
	v1 =	vld [tilespmem:s13+$0x1A780];
	v2 =	vadd.f32 v3, v2  }
.LBB2_9:
0x1e4: {  	_ = 	snop  }
0x1e5: {  	p3 =	sne.s32 s8, $0x1800;
	s21 =	smov.u32 s8;
	s8 =	sadd.s32 $0x100, s8;
	v2 =	vadd.f32 v2, v2  }
0x1e6: {  	_ = 	snop  }
0x1e7: {  	v3 =	vand.u32 $0x7FFFFFFF, v2;
	v2 =	vmul.f32 v2, v2  }
0x1e8: {  	[tilespmem:s3+$0x1B4B0] =	vst v3  }
0x1e9: {  	[tilespmem:s3+$0x1C1B0] =	vst v2;
	s3 =	smov.u32 s13  }
0x1ea: {  	v0 =	vld.idx.msk [tilespmem:v0+s12+$0x0], $0xffff  }
0x1eb: {  	v1 =	vld.idx.msk [tilespmem:v1+s12+$0x0], $0xffff;
	_ =	sdelay $0x3  }
0x1ec: {  	v2 =	vld [tilespmem:s3+$0x1A790]  }
0x1ed: {  	v3 =	vld [tilespmem:s3+$0x19A90]  }
0x1ee: {  	v0 =	vadd.f32 v1, v0;
	_ =	sdelay $0x1  }
0x1ef: {  	v0 =	vadd.f32 v0, v0;
	_ =	sdelay $0x1  }
0x1f0: {  	v1 =	vand.u32 $0x7FFFFFFF, v0;
	v0 =	vmul.f32 v0, v0  }
0x1f1: {  	[tilespmem:s3+$0x1B480] =	vst v1  }
0x1f2: {  	[tilespmem:s3+$0x1C180] =	vst v0  }
0x1f3: {  	v0 =	vld.idx.msk [tilespmem:v3+s12+$0x0], $0xffff  }
0x1f4: {  	v1 =	vld.idx.msk [tilespmem:v2+s12+$0x0], $0xffff;
	_ =	sdelay $0x3  }
0x1f5: {  	v2 =	vld [tilespmem:s3+$0x1A7A0]  }
0x1f6: {  	v3 =	vld [tilespmem:s3+$0x19AA0]  }
0x1f7: {  	v0 =	vadd.f32 v1, v0;
	_ =	sdelay $0x1  }
0x1f8: {  	v0 =	vadd.f32 v0, v0;
	_ =	sdelay $0x1  }
0x1f9: {  	v1 =	vand.u32 $0x7FFFFFFF, v0;
	v0 =	vmul.f32 v0, v0  }
0x1fa: {  	[tilespmem:s3+$0x1B490] =	vst v1  }
0x1fb: {  	[tilespmem:s3+$0x1C190] =	vst v0  }
0x1fc: {  	v0 =	vld.idx.msk [tilespmem:v3+s12+$0x0], $0xffff  }
0x1fd: {  	v1 =	vld.idx.msk [tilespmem:v2+s12+$0x0], $0xffff;
	_ =	sdelay $0x3  }
0x1fe: {  	v2 =	vld [tilespmem:s3+$0x1A7B0]  }
0x1ff: {  	v3 =	vld [tilespmem:s3+$0x19AB0]  }
0x200: {  	v0 =	vadd.f32 v1, v0;
	_ =	sdelay $0x1  }
0x201: {  	v0 =	vadd.f32 v0, v0;
	_ =	sdelay $0x1  }
0x202: {  	v1 =	vand.u32 $0x7FFFFFFF, v0;
	v0 =	vmul.f32 v0, v0  }
0x203: {  	[tilespmem:s3+$0x1B4A0] =	vst v1  }
0x204: {  	[tilespmem:s3+$0x1C1A0] =	vst v0  }
0x205: {  	v3 =	vld.idx.msk [tilespmem:v3+s12+$0x0], $0xffff  }
0x206: {  	v2 =	vld.idx.msk [tilespmem:v2+s12+$0x0], $0xffff;
	_ =	sdelay $0x1  }
.Ltmp3:
0x207: {  	(pc) =	sbr.rel @p3 .LBB2_9-.Ltmp3, $4  }
0x208: {  	_ = 	snop  }
0x209: {  	s13 =	sshra.s32 s21, $0x2  }
0x20a: {  	v0 =	vld [tilespmem:s13+$0x19A80]  }
0x20b: {  	v2 =	vadd.f32 v2, v3;
	v1 =	vld [tilespmem:s13+$0x1A780]  }
0x20c: {  	_ =	sdelay $0x1  }
0x20d: {  	v2 =	vadd.f32 v2, v2;
	_ =	sdelay $0x1  }
0x20e: {  	v3 =	vand.u32 $0x7FFFFFFF, v2;
	v2 =	vmul.f32 v2, v2  }
0x20f: {  	[tilespmem:s3+$0x1B4B0] =	vst v3  }
0x210: {  	[tilespmem:s3+$0x1C1B0] =	vst v2  }
0x211: {  	v0 =	vld.idx.msk [tilespmem:v0+s12+$0x0], $0xffff  }
0x212: {  	v1 =	vld.idx.msk [tilespmem:v1+s12+$0x0], $0xffff;
	_ =	sdelay $0x3  }
0x213: {  	v2 =	vld [tilespmem:s13+$0x19A90]  }
0x214: {  	v3 =	vld [tilespmem:s13+$0x1A790];
	v0 =	vadd.f32 v1, v0;
	_ =	sdelay $0x1  }
0x215: {  	v0 =	vadd.f32 v0, v0;
	_ =	sdelay $0x1  }
0x216: {  	v56 =	vand.u32 $0x7FFFFFFF, v0;
	v0 =	vmul.f32 v0, v0  }
0x217: {  	[tilespmem:s13+$0x1B480] =	vst v56  }
0x218: {  	[tilespmem:s13+$0x1C180] =	vst v0  }
0x219: {  	v0 =	vld.idx.msk [tilespmem:v2+s12+$0x0], $0xffff  }
0x21a: {  	v1 =	vld.idx.msk [tilespmem:v3+s12+$0x0], $0xffff;
	_ =	sdelay $0x3  }
0x21b: {  	v57 =	vld [tilespmem:s13+$0x19AA0]  }
0x21c: {  	v58 =	vld [tilespmem:s13+$0x1A7A0];
	v0 =	vadd.f32 v1, v0;
	_ =	sdelay $0x1  }
0x21d: {  	v0 =	vadd.f32 v0, v0;
	_ =	sdelay $0x1  }
0x21e: {  	v59 =	vand.u32 $0x7FFFFFFF, v0;
	v0 =	vmul.f32 v0, v0  }
0x21f: {  	[tilespmem:s13+$0x1B490] =	vst v59  }
0x220: {  	[tilespmem:s13+$0x1C190] =	vst v0  }
0x221: {  	v0 =	vld.idx.msk [tilespmem:v57+s12+$0x0], $0xffff  }
0x222: {  	v1 =	vld.idx.msk [tilespmem:v58+s12+$0x0], $0xffff;
	_ =	sdelay $0x3  }
0x223: {  	v60 =	vld [tilespmem:s13+$0x19AB0]  }
0x224: {  	v61 =	vld [tilespmem:s13+$0x1A7B0];
	v0 =	vadd.f32 v1, v0;
	_ =	sdelay $0x1  }
0x225: {  	v0 =	vadd.f32 v0, v0;
	_ =	sdelay $0x1  }
0x226: {  	v62 =	vand.u32 $0x7FFFFFFF, v0;
	v0 =	vmul.f32 v0, v0  }
0x227: {  	[tilespmem:s13+$0x1B4A0] =	vst v62  }
0x228: {  	[tilespmem:s13+$0x1C1A0] =	vst v0  }
0x229: {  	v0 =	vld.idx.msk [tilespmem:v60+s12+$0x0], $0xffff  }
0x22a: {  	v1 =	vld.idx.msk [tilespmem:v61+s12+$0x0], $0xffff;
	_ =	sdelay $0x4  }
0x22b: {  	v0 =	vadd.f32 v1, v0;
	_ =	sdelay $0x1  }
0x22c: {  	v0 =	vadd.f32 v0, v0;
	_ =	sdelay $0x1  }
0x22d: {  	v63 =	vand.u32 $0x7FFFFFFF, v0;
	v0 =	vmul.f32 v0, v0  }
0x22e: {  	[tilespmem:s13+$0x1B4B0] =	vst v63  }
0x22f: {  	[tilespmem:s13+$0x1C1B0] =	vst v0  }
0x230: {  	_ =	swait.ge [sflag:s24], $0x640  }
0x231: {  	[sflag:s24] =	ssyncset.done $0x0  }
0x232: {  	s22 =	sadd.s32 $0x1, s22;
	[sflag:s24] =	ssyncadd.s32 $0xFFFFF9C0  }
0x233: {  	p3 =	sne.s32 s22, $0x1F;
	_ =	swait.ge [sflag:s24], $0x640  }
.Ltmp4:
0x234: {  	[sflag:s24] =	ssyncset.done $0x0;
	(pc) =	sbr.rel @p3 .LBB2_2-.Ltmp4, $4  }
0x235: {  	[sflag:s24] =	ssyncadd.s32 $0xFFFFF9C0  }
0x236: {  	[spmem:s9] =	stream.indirect.scatter.add.f32 [tilespmem:s15], [sflag:$0x5], $0x1, s17, s5, $0xb8;
	[tilespmem:$0x1F8E0] =	vst v63  }
0x237: {  	_ = 	snop  }
0x238: {  	[spmem:s10] =	stream.indirect.scatter.add.f32 [tilespmem:s16], [sflag:$0x5], $0x1, s17, s5, $0xb8;
	[tilespmem:$0x1F8E0] =	vst v63  }
0x239: {  	_ =	swait.ge [sflag:s30], $0x640  }
0x23a: {  	[sflag:s30] =	ssyncset.done $0x0  }
0x23b: {  	[sflag:s30] =	ssyncadd.s32 $0xFFFFF9C0  }
0x23c: {  	_ =	swait.ge [sflag:s30], $0x640  }
0x23d: {  	[sflag:s30] =	ssyncset.done $0x0  }
0x23e: {  	s3 =	simm.s32 $0x0;
	[sflag:s30] =	ssyncadd.s32 $0xFFFFF9C0  }
0x23f: {  	v0 =	vld [tilespmem:s3+$0x18700]  }
0x240: {  	v1 =	vld [tilespmem:s3+$0x1A100];
	_ =	sdelay $0x6  }
0x241: {  	v0 =	vld.idx.msk [tilespmem:v0+s12+$0x0], $0xffff  }
0x242: {  	v1 =	vld.idx.msk [tilespmem:v1+s12+$0x0], $0xffff;
	_ =	sdelay $0x3  }
0x243: {  	v2 =	vld [tilespmem:s3+$0x18710]  }
0x244: {  	v3 =	vld [tilespmem:s3+$0x1A110];
	v0 =	vadd.f32 v1, v0;
	_ =	sdelay $0x1  }
0x245: {  	v0 =	vadd.f32 v0, v0;
	_ =	sdelay $0x1  }
0x246: {  	v1 =	vand.u32 $0x7FFFFFFF, v0;
	v0 =	vmul.f32 v0, v0  }
0x247: {  	[tilespmem:s3+$0x1AE00] =	vst v1  }
0x248: {  	[tilespmem:s3+$0x1BB00] =	vst v0  }
0x249: {  	v0 =	vld.idx.msk [tilespmem:v2+s12+$0x0], $0xffff  }
0x24a: {  	v1 =	vld.idx.msk [tilespmem:v3+s12+$0x0], $0xffff;
	_ =	sdelay $0x3  }
0x24b: {  	v2 =	vld [tilespmem:s3+$0x18720]  }
0x24c: {  	v3 =	vld [tilespmem:s3+$0x1A120];
	v0 =	vadd.f32 v1, v0;
	_ =	sdelay $0x1  }
0x24d: {  	v0 =	vadd.f32 v0, v0;
	_ =	sdelay $0x1  }
0x24e: {  	v1 =	vand.u32 $0x7FFFFFFF, v0;
	v0 =	vmul.f32 v0, v0  }
0x24f: {  	[tilespmem:s3+$0x1AE10] =	vst v1  }
0x250: {  	[tilespmem:s3+$0x1BB10] =	vst v0  }
0x251: {  	v0 =	vld.idx.msk [tilespmem:v2+s12+$0x0], $0xffff  }
0x252: {  	v1 =	vld.idx.msk [tilespmem:v3+s12+$0x0], $0xffff;
	_ =	sdelay $0x3  }
0x253: {  	v2 =	vld [tilespmem:s3+$0x18730]  }
0x254: {  	v3 =	vld [tilespmem:s3+$0x1A130];
	v0 =	vadd.f32 v1, v0;
	_ =	sdelay $0x1  }
0x255: {  	v0 =	vadd.f32 v0, v0;
	_ =	sdelay $0x1  }
0x256: {  	v1 =	vand.u32 $0x7FFFFFFF, v0;
	v0 =	vmul.f32 v0, v0  }
0x257: {  	[tilespmem:s3+$0x1AE20] =	vst v1  }
0x258: {  	[tilespmem:s3+$0x1BB20] =	vst v0  }
0x259: {  	v2 =	vld.idx.msk [tilespmem:v2+s12+$0x0], $0xffff  }
0x25a: {  	v3 =	vld.idx.msk [tilespmem:v3+s12+$0x0], $0xffff;
	_ =	sdelay $0x2  }
0x25b: {  	s13 =	simm.s32 $0x40  }
0x25c: {  	v0 =	vld [tilespmem:s13+$0x18700]  }
0x25d: {  	s8 =	simm.s32 $0x200;
	v1 =	vld [tilespmem:s13+$0x1A100];
	v2 =	vadd.f32 v3, v2  }
.LBB2_12:
0x25e: {  	_ = 	snop  }
0x25f: {  	p3 =	sne.s32 s8, $0x1800;
	s21 =	smov.u32 s8;
	s8 =	sadd.s32 $0x100, s8;
	v2 =	vadd.f32 v2, v2  }
0x260: {  	_ = 	snop  }
0x261: {  	v3 =	vand.u32 $0x7FFFFFFF, v2;
	v2 =	vmul.f32 v2, v2  }
0x262: {  	[tilespmem:s3+$0x1AE30] =	vst v3  }
0x263: {  	[tilespmem:s3+$0x1BB30] =	vst v2;
	s3 =	smov.u32 s13  }
0x264: {  	v0 =	vld.idx.msk [tilespmem:v0+s12+$0x0], $0xffff  }
0x265: {  	v1 =	vld.idx.msk [tilespmem:v1+s12+$0x0], $0xffff;
	_ =	sdelay $0x3  }
0x266: {  	v2 =	vld [tilespmem:s3+$0x1A110]  }
0x267: {  	v3 =	vld [tilespmem:s3+$0x18710]  }
0x268: {  	v0 =	vadd.f32 v1, v0;
	_ =	sdelay $0x1  }
0x269: {  	v0 =	vadd.f32 v0, v0;
	_ =	sdelay $0x1  }
0x26a: {  	v1 =	vand.u32 $0x7FFFFFFF, v0;
	v0 =	vmul.f32 v0, v0  }
0x26b: {  	[tilespmem:s3+$0x1AE00] =	vst v1  }
0x26c: {  	[tilespmem:s3+$0x1BB00] =	vst v0  }
0x26d: {  	v0 =	vld.idx.msk [tilespmem:v3+s12+$0x0], $0xffff  }
0x26e: {  	v1 =	vld.idx.msk [tilespmem:v2+s12+$0x0], $0xffff;
	_ =	sdelay $0x3  }
0x26f: {  	v2 =	vld [tilespmem:s3+$0x1A120]  }
0x270: {  	v3 =	vld [tilespmem:s3+$0x18720]  }
0x271: {  	v0 =	vadd.f32 v1, v0;
	_ =	sdelay $0x1  }
0x272: {  	v0 =	vadd.f32 v0, v0;
	_ =	sdelay $0x1  }
0x273: {  	v1 =	vand.u32 $0x7FFFFFFF, v0;
	v0 =	vmul.f32 v0, v0  }
0x274: {  	[tilespmem:s3+$0x1AE10] =	vst v1  }
0x275: {  	[tilespmem:s3+$0x1BB10] =	vst v0  }
0x276: {  	v0 =	vld.idx.msk [tilespmem:v3+s12+$0x0], $0xffff  }
0x277: {  	v1 =	vld.idx.msk [tilespmem:v2+s12+$0x0], $0xffff;
	_ =	sdelay $0x3  }
0x278: {  	v2 =	vld [tilespmem:s3+$0x1A130]  }
0x279: {  	v3 =	vld [tilespmem:s3+$0x18730]  }
0x27a: {  	v0 =	vadd.f32 v1, v0;
	_ =	sdelay $0x1  }
0x27b: {  	v0 =	vadd.f32 v0, v0;
	_ =	sdelay $0x1  }
0x27c: {  	v1 =	vand.u32 $0x7FFFFFFF, v0;
	v0 =	vmul.f32 v0, v0  }
0x27d: {  	[tilespmem:s3+$0x1AE20] =	vst v1  }
0x27e: {  	[tilespmem:s3+$0x1BB20] =	vst v0  }
0x27f: {  	v3 =	vld.idx.msk [tilespmem:v3+s12+$0x0], $0xffff  }
0x280: {  	v2 =	vld.idx.msk [tilespmem:v2+s12+$0x0], $0xffff;
	_ =	sdelay $0x1  }
.Ltmp5:
0x281: {  	(pc) =	sbr.rel @p3 .LBB2_12-.Ltmp5, $4  }
0x282: {  	_ = 	snop  }
0x283: {  	s13 =	sshra.s32 s21, $0x2  }
0x284: {  	v0 =	vld [tilespmem:s13+$0x18700]  }
0x285: {  	v2 =	vadd.f32 v2, v3;
	v1 =	vld [tilespmem:s13+$0x1A100]  }
0x286: {  	_ =	sdelay $0x1  }
0x287: {  	v2 =	vadd.f32 v2, v2;
	_ =	sdelay $0x1  }
0x288: {  	v3 =	vand.u32 $0x7FFFFFFF, v2;
	v2 =	vmul.f32 v2, v2  }
0x289: {  	[tilespmem:s3+$0x1AE30] =	vst v3  }
0x28a: {  	[tilespmem:s3+$0x1BB30] =	vst v2  }
0x28b: {  	v0 =	vld.idx.msk [tilespmem:v0+s12+$0x0], $0xffff  }
0x28c: {  	v1 =	vld.idx.msk [tilespmem:v1+s12+$0x0], $0xffff;
	_ =	sdelay $0x3  }
0x28d: {  	v2 =	vld [tilespmem:s13+$0x18710]  }
0x28e: {  	v3 =	vld [tilespmem:s13+$0x1A110];
	v0 =	vadd.f32 v1, v0;
	_ =	sdelay $0x1  }
0x28f: {  	v0 =	vadd.f32 v0, v0;
	_ =	sdelay $0x1  }
0x290: {  	v56 =	vand.u32 $0x7FFFFFFF, v0;
	v0 =	vmul.f32 v0, v0  }
0x291: {  	[tilespmem:s13+$0x1AE00] =	vst v56  }
0x292: {  	[tilespmem:s13+$0x1BB00] =	vst v0  }
0x293: {  	v0 =	vld.idx.msk [tilespmem:v2+s12+$0x0], $0xffff  }
0x294: {  	v1 =	vld.idx.msk [tilespmem:v3+s12+$0x0], $0xffff;
	_ =	sdelay $0x3  }
0x295: {  	v57 =	vld [tilespmem:s13+$0x18720]  }
0x296: {  	v58 =	vld [tilespmem:s13+$0x1A120];
	v0 =	vadd.f32 v1, v0;
	_ =	sdelay $0x1  }
0x297: {  	v0 =	vadd.f32 v0, v0;
	_ =	sdelay $0x1  }
0x298: {  	v59 =	vand.u32 $0x7FFFFFFF, v0;
	v0 =	vmul.f32 v0, v0  }
0x299: {  	[tilespmem:s13+$0x1AE10] =	vst v59  }
0x29a: {  	[tilespmem:s13+$0x1BB10] =	vst v0  }
0x29b: {  	v0 =	vld.idx.msk [tilespmem:v57+s12+$0x0], $0xffff  }
0x29c: {  	v1 =	vld.idx.msk [tilespmem:v58+s12+$0x0], $0xffff;
	_ =	sdelay $0x3  }
0x29d: {  	v60 =	vld [tilespmem:s13+$0x18730]  }
0x29e: {  	v61 =	vld [tilespmem:s13+$0x1A130];
	v0 =	vadd.f32 v1, v0;
	_ =	sdelay $0x1  }
0x29f: {  	v0 =	vadd.f32 v0, v0;
	_ =	sdelay $0x1  }
0x2a0: {  	v62 =	vand.u32 $0x7FFFFFFF, v0;
	v0 =	vmul.f32 v0, v0  }
0x2a1: {  	[tilespmem:s13+$0x1AE20] =	vst v62  }
0x2a2: {  	[tilespmem:s13+$0x1BB20] =	vst v0  }
0x2a3: {  	v0 =	vld.idx.msk [tilespmem:v60+s12+$0x0], $0xffff  }
0x2a4: {  	v1 =	vld.idx.msk [tilespmem:v61+s12+$0x0], $0xffff;
	_ =	sdelay $0x4  }
0x2a5: {  	v0 =	vadd.f32 v1, v0;
	_ =	sdelay $0x1  }
0x2a6: {  	v0 =	vadd.f32 v0, v0;
	_ =	sdelay $0x1  }
0x2a7: {  	v63 =	vand.u32 $0x7FFFFFFF, v0;
	v0 =	vmul.f32 v0, v0  }
0x2a8: {  	[tilespmem:s13+$0x1AE30] =	vst v63  }
0x2a9: {  	s21 =	simm.s32 $0x5;
	[tilespmem:s13+$0x1BB30] =	vst v0  }
0x2aa: {  	_ =	swait.ge [sflag:s21], $0x640  }
0x2ab: {  	[sflag:s21] =	ssyncset.done $0x0  }
0x2ac: {  	[sflag:s21] =	ssyncadd.s32 $0xFFFFF9C0  }
0x2ad: {  	_ =	swait.ge [sflag:s21], $0x640  }
0x2ae: {  	[sflag:s21] =	ssyncset.done $0x0  }
0x2af: {  	[sflag:s21] =	ssyncadd.s32 $0xFFFFF9C0  }
0x2b0: {  	[spmem:s9] =	stream.indirect.scatter.add.f32 [tilespmem:s6], [sflag:$0x2], $0x1, s25, s5, $0xb8;
	[tilespmem:$0x1F8E0] =	vst v63  }
0x2b1: {  	_ = 	snop  }
0x2b2: {  	[spmem:s10] =	stream.indirect.scatter.add.f32 [tilespmem:s7], [sflag:$0x2], $0x1, s25, s5, $0xb8;
	[tilespmem:$0x1F8E0] =	vst v63  }
0x2b3: {  	_ =	swait.ge [sflag:s14], $0x640  }
0x2b4: {  	[sflag:s14] =	ssyncset.done $0x0  }
0x2b5: {  	[sflag:s14] =	ssyncadd.s32 $0xFFFFF9C0  }
0x2b6: {  	_ =	swait.ge [sflag:s14], $0x640  }
0x2b7: {  	[sflag:s14] =	ssyncset.done $0x0  }
0x2b8: {  	s3 =	stileid.u32;
	[sflag:s14] =	ssyncadd.s32 $0xFFFFF9C0  }
0x2b9: {  	s3 =	sshll.u32 @!p2 s3, $0x6;
	[bflag:$0x0] =	sbarrier.arrive $0xFFFF  }
0x2ba: {  	s8 =	sshrl.u32 @!p2 s9, $0x3;
	s3 =	sor.u32 @!p2 $0x1C06, s3;
	s13 =	rddreg [dreg:$0x4]  }
0x2bb: {  	[hbm:s13], [sflag:s3] =	dma.local @!p2 [spmem:s8], $0x30E0  }
0x2bc: {  	s8 =	simm.s32 @!p2 $0x6  }
0x2bd: {  	_ =	swait.ge @!p2 [sflag:s8], $0x30E0  }
0x2be: {  	[sflag:s8] =	ssyncset.done @!p2 $0x0  }
0x2bf: {  	[sflag:s8] =	ssyncadd.s32 @!p2 $0xFFFFCF20  }
0x2c0: {  	s13 =	sshrl.u32 @!p2 s10, $0x3;
	s21 =	rddreg [dreg:$0x6]  }
0x2c1: {  	[hbm:s21], [sflag:s3] =	dma.local @!p2 [spmem:s13], $0x30E0  }
0x2c2: {  	_ =	swait.ge @!p2 [sflag:s8], $0x30E0  }
0x2c3: {  	[sflag:s8] =	ssyncset.done @!p2 $0x0  }
0x2c4: {  	[sflag:s8] =	ssyncadd.s32 @!p2 $0xFFFFCF20  }
0x2c5: {  	s3 =	sshrl.u32 @p1 s9, $0x3;
	s8 =	simm.s32 @p1 $0x1C06;
	s13 =	rddreg [dreg:$0x5]  }
0x2c6: {  	[hbm:s13], [sflag:s8] =	dma.local @p1 [spmem:s3], $0x30E0  }
0x2c7: {  	s3 =	simm.s32 @p1 $0x6  }
0x2c8: {  	_ =	swait.ge @p1 [sflag:s3], $0x30E0  }
0x2c9: {  	[sflag:s3] =	ssyncset.done @p1 $0x0  }
0x2ca: {  	[sflag:s3] =	ssyncadd.s32 @p1 $0xFFFFCF20  }
0x2cb: {  	s13 =	sshrl.u32 @p1 s10, $0x3;
	s21 =	rddreg [dreg:$0x7]  }
0x2cc: {  	[hbm:s21], [sflag:s8] =	dma.local @p1 [spmem:s13], $0x30E0  }
0x2cd: {  	_ =	swait.ge @p1 [sflag:s3], $0x30E0  }
0x2ce: {  	s22 =	rddreg [dreg:$0x14]  }
0x2cf: {  	s26 =	rddreg [dreg:$0x10];
	s13 =	sadd.s32 $0x1, s22  }
0x2d0: {  	p3 =	sne.s32 s13, s26  }
.Ltmp6:
0x2d1: {  	_ = 	snop;
	(pc) =	sbr.rel @p3 .LBB2_1-.Ltmp6, $3  }
0x2d2: {  	_ =	sdelay $0x1  }
0x2d3: {  	[sflag:s3] =	ssyncset.done @p1 $0x0  }
0x2d4: {  	[sflag:s3] =	ssyncadd.s32 @p1 $0xFFFFCF20  }
0x2d5: {  	_ =	sfence.sel $0x180000  }
0x2d6: {  	[bflag:$0x0] =	sbarrier.arrive $0xFFFF  }
0x2d7: {  	_ =	strace $0x90000047  }
0x2d8: {  	[bflag:$0x2] =	sbarrier.arrive $0xFFFF  }
0x2d9: {  	s0 =	rddreg [dreg:$0xa]  }
0x2da: {  	s0 =	sadd.s32 @!p0 $0x100000, s0  }
0x2db: {  	[sflag:s0] =	ssyncadd.tile.s32 @!p0 $0x1;
	_ =	shalt  }
.Lfunc_end2:
_tile_overlayer_lowered:
.L_overlay_start_2:
0x2dc: {  	(tag) =	ssettag $0x2  }
0x2dd: {  	s0 =	rddreg [dreg:$0x0];
	s2 =	stileid.u32  }
0x2de: {  	s1 =	rddreg [dreg:$0x1];
	p0 =	sne.s32 s2, $0x0  }
0x2df: {  	s3 =	rddreg [dreg:$0x2];
	[bflag:$0x3] =	sbarrier.arrive $0xFFFF;
	s2 =	simm.s32 @!p0 $0x1C06  }
0x2e0: {  	[timem:s3], [sflag:s2] =	dma.local @!p0 [hbm:s0], s1  }
0x2e1: {  	s0 =	simm.s32 @!p0 $0x6  }
0x2e2: {  	_ =	swait.ge @!p0 [sflag:s0], s1  }
0x2e3: {  	s1 =	ssub.s32 @!p0 $0x0, s1;
	[sflag:s0] =	ssyncset.done @!p0 $0x0  }
0x2e4: {  	[sflag:s0] =	ssyncadd.s32 @!p0 s1  }
0x2e5: {  	[bflag:$0x3] =	sbarrier.arrive $0xFFFF  }
0x2e6: {  	_ =	shalt  }

</sc_bundles>
